<compile_context>
chip_gen: v7x
topology: tpu7x:2x2x1
jax: 0.10.2.dev20260603
libtpu: 0.0.44.dev20260713+nightly
codegen_flags: <defaults>
</compile_context>

<pallas_src>
import functools

import jax
import jax.numpy as jnp
from jax import lax
from jax.experimental import pallas as pl
from jax.experimental.pallas import tpu as pltpu
from jax.experimental.pallas import tpu_sc as plsc

B = 4096
L = 128
V = 100000
D = 128
H = 1024
O = 256

_V_PAD = 102400
_VHALF = _V_PAD // 2
_HALF_BLK = 10240



def _pack_bf16(u):
    return (u + 0x7FFF + ((u >> 16) & 1)) >> 16


def _rowmean_body(wlo_ref, whi_ref, rt_ref):
    ones_row = jnp.full((1, D), 1.0 / D, dtype=jnp.float32)
    dims = (((1,), (1,)), ((), ()))
    s_lo = jax.lax.dot_general(ones_row, wlo_ref[...], dims,
                               preferred_element_type=jnp.float32)
    s_hi = jax.lax.dot_general(ones_row, whi_ref[...], dims,
                               preferred_element_type=jnp.float32)
    b_lo = _pack_bf16(jax.lax.bitcast_convert_type(s_lo, jnp.int32))
    b_hi = _pack_bf16(jax.lax.bitcast_convert_type(s_hi, jnp.int32))
    word = (b_lo & 0xFFFF) | (b_hi << 16)
    rt_ref[...] = word.reshape(_HALF_BLK)


def _rowmean_packed(weights):
    nblk = _VHALF // _HALF_BLK
    return pl.pallas_call(
        _rowmean_body,
        grid=(nblk,),
        in_specs=[
            pl.BlockSpec((_HALF_BLK, D), lambda i: (i, 0)),
            pl.BlockSpec((_HALF_BLK, D), lambda i, n=nblk: (i + n, 0)),
        ],
        out_specs=pl.BlockSpec((_HALF_BLK,), lambda i: (i,)),
        out_shape=jax.ShapeDtypeStruct((_VHALF,), jnp.int32),
    )(weights, weights)



_BL = B * L
_CHUNK = 8192


def _sc_gather(rt, idx):
    mesh = plsc.VectorSubcoreMesh(core_axis_name="c", subcore_axis_name="s",
                                  num_subcores=8)
    nw = mesh.num_cores * mesh.num_subcores
    per_w = _BL // nw
    nchunk = per_w // _CHUNK

    @functools.partial(
        pl.kernel,
        out_type=jax.ShapeDtypeStruct((_BL,), jnp.float32),
        mesh=mesh,
        scratch_types=[
            pltpu.VMEM((_VHALF,), jnp.int32),
            pltpu.VMEM((_CHUNK,), jnp.int32),
            pltpu.VMEM((_CHUNK,), jnp.int32),
            pltpu.VMEM((_CHUNK,), jnp.float32),
            pltpu.VMEM((_CHUNK,), jnp.float32),
            pltpu.SemaphoreType.DMA,
            pltpu.SemaphoreType.DMA,
            pltpu.SemaphoreType.DMA,
            pltpu.SemaphoreType.DMA,
            pltpu.SemaphoreType.DMA,
        ],
        compiler_params=pltpu.CompilerParams(needs_layout_passes=False),
    )
    def gather_kernel(rt_hbm, idx_hbm, out_hbm, rt_v, idx_a, idx_b,
                      val_a, val_b, sem_r, sem_ia, sem_ib, sem_oa, sem_ob):
        wid = lax.axis_index("s") * mesh.num_cores + lax.axis_index("c")
        base = wid * per_w
        idx_bufs = (idx_a, idx_b)
        val_bufs = (val_a, val_b)
        idx_sems = (sem_ia, sem_ib)
        out_sems = (sem_oa, sem_ob)

        r_cp = pltpu.async_copy(rt_hbm, rt_v, sem_r)
        idx_cps = [None, None]
        out_cps = [None, None]
        idx_cps[0] = pltpu.async_copy(
            idx_hbm.at[pl.ds(base, _CHUNK)], idx_bufs[0], idx_sems[0])
        r_cp.wait()
        for c in range(nchunk):
            p = c % 2
            q = (c + 1) % 2
            if c + 1 < nchunk:
                idx_cps[q] = pltpu.async_copy(
                    idx_hbm.at[pl.ds(base + (c + 1) * _CHUNK, _CHUNK)],
                    idx_bufs[q], idx_sems[q])
            idx_cps[p].wait()
            if out_cps[p] is not None:
                out_cps[p].wait()
            idx_v = idx_bufs[p]
            val_v = val_bufs[p]

            def body(j, carry):
                grp = j * 128
                idxs = [idx_v[pl.ds(grp + k * 16, 16)] for k in range(8)]
                vals = []
                for ix in idxs:
                    hi = ix >= _VHALF
                    k16 = ix - jnp.where(hi, _VHALF, 0)
                    w = plsc.load_gather(rt_v, [k16])
                    bits = jnp.where(hi, w & jnp.int32(-65536), w << 16)
                    vals.append(plsc.bitcast(bits, jnp.float32))
                for k in range(8):
                    val_v[pl.ds(grp + k * 16, 16)] = vals[k]
                return carry

            lax.fori_loop(0, _CHUNK // 128, body, 0)
            out_cps[p] = pltpu.async_copy(
                val_v, out_hbm.at[pl.ds(base + c * _CHUNK, _CHUNK)], out_sems[p])
        for cp in out_cps:
            if cp is not None:
                cp.wait()

    return gather_kernel(rt, idx)



_B_BLK = 1024


def _mlp_body(m_ref, w1_ref, b1_ref, w2_ref, b2_ref, o_ref, wc_ref, bc_ref):
    i = pl.program_id(0)

    @pl.when(i == 0)
    def _():
        wc_ref[...] = jnp.dot(w1_ref[...], w2_ref[...],
                              preferred_element_type=jnp.float32)
        bc_ref[...] = jnp.dot(b1_ref[...], w2_ref[...],
                              preferred_element_type=jnp.float32) + b2_ref[...]

    z = jnp.dot(m_ref[...], wc_ref[...],
                preferred_element_type=jnp.float32) + bc_ref[...]
    z = z - jnp.max(z, axis=1, keepdims=True)
    e = jnp.exp(z)
    o_ref[...] = e / jnp.sum(e, axis=1, keepdims=True)


def _mlp_softmax(m, W1, b1, W2, b2):
    return pl.pallas_call(
        _mlp_body,
        grid=(B // _B_BLK,),
        in_specs=[
            pl.BlockSpec((_B_BLK, L), lambda i: (i, 0)),
            pl.BlockSpec((D, H), lambda i: (0, 0)),
            pl.BlockSpec((1, H), lambda i: (0, 0)),
            pl.BlockSpec((H, O), lambda i: (0, 0)),
            pl.BlockSpec((1, O), lambda i: (0, 0)),
        ],
        out_specs=pl.BlockSpec((_B_BLK, O), lambda i: (i, 0)),
        out_shape=jax.ShapeDtypeStruct((B, O), jnp.float32),
        scratch_shapes=[
            pltpu.VMEM((L, O), jnp.float32),
            pltpu.VMEM((1, O), jnp.float32),
        ],
    )(m, W1, b1.reshape(1, H), W2, b2.reshape(1, O))


def kernel(x, weights, W1, b1, W2, b2):
    rt = _rowmean_packed(weights)
    idx = x.reshape(_BL).astype(jnp.int32)
    m = _sc_gather(rt, idx)
    return _mlp_softmax(m.reshape(B, L), W1, b1, W2, b2)

# --- scband reference (transcript-rebuilt; emitter-appended) ---
"""Pipeline reference for scband-fast-text-32435593019998 (READ-ONLY COPY).

The authoritative reference and input builder live on the scoring server;
editing this copy changes nothing except your own understanding.
"""

import jax, jax.numpy as jnp
import numpy as np

B = 4096
L = 128
V = 100000
D = 128
H = 1024
O = 256


def setup_inputs(seed: int = 0) -> dict:
    key = jax.random.key(seed)
    ks = jax.random.split(key, 7)
    x = jax.random.randint(ks[0], (B, L), 0, V, dtype=jnp.int64 if jax.config.jax_enable_x64 else jnp.int32)
    weights = jax.random.normal(ks[1], (V, D), dtype=jnp.float32) * 0.02
    W1 = jax.random.normal(ks[2], (D, H), dtype=jnp.float32) * (1.0 / np.sqrt(D))
    b1 = jax.random.normal(ks[3], (H,), dtype=jnp.float32) * 0.01
    W2 = jax.random.normal(ks[4], (H, O), dtype=jnp.float32) * (1.0 / np.sqrt(H))
    b2 = jax.random.normal(ks[5], (O,), dtype=jnp.float32) * 0.01
    return {"x": x, "weights": weights, "W1": W1, "b1": b1, "W2": W2, "b2": b2}


def reference(x, weights, W1, b1, W2, b2):
    # embedding lookup: [B, L, D]
    embedded_sent = jnp.take(weights, x, axis=0)
    # transpose(1, 2): [B, D, L]
    embedded_sent = jnp.transpose(embedded_sent, (0, 2, 1))
    # mean over dim 1 (the embedding dim after transpose): [B, L]
    m = jnp.mean(embedded_sent, axis=1)
    # fc1 (in_features = embedding_length == L): [B, H]
    h = m @ W1 + b1
    # fc2: [B, O]
    z = h @ W2 + b2
    # nn.Softmax() on 2D input -> softmax over last dim
    return jax.nn.softmax(z, axis=-1)

if __name__ == "__main__":
    import jax
    _d = setup_inputs()
    print(jax.jit(kernel)(*tuple(_d.values())))

</pallas_src>

<mosaic_0001>
#map = affine_map<(d0, d1) -> (0)>
module attributes {stable_mosaic.version = 14 : i64} {
  func.func @gather_kernel(%arg0: i32, %arg1: i32, %arg2: memref<51200xi32, #tpu.memory_space<hbm>>, %arg3: memref<524288xi32, #tpu.memory_space<hbm>>, %arg4: memref<524288xf32, #tpu.memory_space<hbm>>, %arg5: memref<51200xi32, #tpu.memory_space<vmem>>, %arg6: memref<8192xi32, #tpu.memory_space<vmem>>, %arg7: memref<8192xi32, #tpu.memory_space<vmem>>, %arg8: memref<8192xf32, #tpu.memory_space<vmem>>, %arg9: memref<8192xf32, #tpu.memory_space<vmem>>, %arg10: memref<!tpu.dma_semaphore, #tpu.memory_space<semaphore_mem>>, %arg11: memref<!tpu.dma_semaphore, #tpu.memory_space<semaphore_mem>>, %arg12: memref<!tpu.dma_semaphore, #tpu.memory_space<semaphore_mem>>, %arg13: memref<!tpu.dma_semaphore, #tpu.memory_space<semaphore_mem>>, %arg14: memref<!tpu.dma_semaphore, #tpu.memory_space<semaphore_mem>>) attributes {dimension_semantics = [#tpu.dimension_semantics<core_parallel>, #tpu.dimension_semantics<subcore_parallel>], iteration_bounds = array<i64: 2, 8>, scalar_prefetch = 0 : i64, scratch_operands = 10 : i64, tpu.core_type = #tpu.core_type<sc_vector_subcore>, window_params = [{transform_indices = #map}, {transform_indices = #map}, {transform_indices = #map}]} {
    %mul3A = arith.constant 2 : i32
    %mul3A_0 = arith.muli %arg1, %mul3A : i32
    %add3A = arith.addi %mul3A_0, %arg0 : i32
    %mul3A_1 = arith.constant 32768 : i32
    %mul3A_2 = arith.muli %add3A, %mul3A_1 : i32
    tpu.enqueue_dma source(%arg2 : memref<51200xi32, #tpu.memory_space<hbm>>) target(%arg5 : memref<51200xi32, #tpu.memory_space<vmem>>) target_semaphore(%arg10 : memref<!tpu.dma_semaphore, #tpu.memory_space<semaphore_mem>>)
    %dma_start3A = tpu.memref_slice %arg3[%mul3A_2] : memref<524288xi32, #tpu.memory_space<hbm>> -> memref<8192xi32, #tpu.memory_space<hbm>>
    %dma_start3A_3 = tpu.memref_slice %arg3[%mul3A_2] : memref<524288xi32, #tpu.memory_space<hbm>> -> memref<8192xi32, #tpu.memory_space<hbm>>
    tpu.enqueue_dma source(%dma_start3A_3 : memref<8192xi32, #tpu.memory_space<hbm>>) target(%arg6 : memref<8192xi32, #tpu.memory_space<vmem>>) target_semaphore(%arg11 : memref<!tpu.dma_semaphore, #tpu.memory_space<semaphore_mem>>)
    tpu.wait_dma2 semaphore(%arg10 : memref<!tpu.dma_semaphore, #tpu.memory_space<semaphore_mem>>) src(%arg2 : memref<51200xi32, #tpu.memory_space<hbm>>) dst(%arg5 : memref<51200xi32, #tpu.memory_space<vmem>>)
    %add3A_4 = arith.constant 8192 : i32
    %add3A_5 = arith.addi %mul3A_2, %add3A_4 : i32
    %dma_start3A_6 = tpu.memref_slice %arg3[%add3A_5] : memref<524288xi32, #tpu.memory_space<hbm>> -> memref<8192xi32, #tpu.memory_space<hbm>>
    %dma_start3A_7 = tpu.memref_slice %arg3[%add3A_5] : memref<524288xi32, #tpu.memory_space<hbm>> -> memref<8192xi32, #tpu.memory_space<hbm>>
    tpu.enqueue_dma source(%dma_start3A_7 : memref<8192xi32, #tpu.memory_space<hbm>>) target(%arg7 : memref<8192xi32, #tpu.memory_space<vmem>>) target_semaphore(%arg12 : memref<!tpu.dma_semaphore, #tpu.memory_space<semaphore_mem>>)
    %dma_wait3A = tpu.memref_slice %arg3[%mul3A_2] : memref<524288xi32, #tpu.memory_space<hbm>> -> memref<8192xi32, #tpu.memory_space<hbm>>
    %dma_wait3A_8 = tpu.memref_slice %arg3[%mul3A_2] : memref<524288xi32, #tpu.memory_space<hbm>> -> memref<8192xi32, #tpu.memory_space<hbm>>
    tpu.wait_dma2 semaphore(%arg11 : memref<!tpu.dma_semaphore, #tpu.memory_space<semaphore_mem>>) src(%dma_wait3A_8 : memref<8192xi32, #tpu.memory_space<hbm>>) dst(%arg6 : memref<8192xi32, #tpu.memory_space<vmem>>)
    %scan3A = arith.constant 0 : i32
    %scan3A_9 = arith.constant 0 : i32
    %scan3A_10 = arith.constant 64 : i32
    %scan3A_11 = arith.addi %scan3A_9, %scan3A_10 : i32
    %scan3A_12 = arith.constant 1 : i32
    scf.for %scan3A_70 = %scan3A_9 to %scan3A_11 step %scan3A_12  : i32 {
      %mul3A_71 = arith.constant 128 : i32
      %mul3A_72 = arith.muli %scan3A_70, %mul3A_71 : i32
      %add3A_73 = arith.constant 0 : i32
      %add3A_74 = arith.addi %mul3A_72, %add3A_73 : i32
      %get3A = arith.index_cast %add3A_74 : i32 to index
      %get3A_75 = tpu.vector_load %arg6[%get3A] {strides = array<i32>} : memref<8192xi32, #tpu.memory_space<vmem>>, vector<16xi32>,
      %add3A_76 = arith.constant 16 : i32
      %add3A_77 = arith.addi %mul3A_72, %add3A_76 : i32
      %get3A_78 = arith.index_cast %add3A_77 : i32 to index
      %get3A_79 = tpu.vector_load %arg6[%get3A_78] {strides = array<i32>} : memref<8192xi32, #tpu.memory_space<vmem>>, vector<16xi32>,
      %add3A_80 = arith.constant 32 : i32
      %add3A_81 = arith.addi %mul3A_72, %add3A_80 : i32
      %get3A_82 = arith.index_cast %add3A_81 : i32 to index
      %get3A_83 = tpu.vector_load %arg6[%get3A_82] {strides = array<i32>} : memref<8192xi32, #tpu.memory_space<vmem>>, vector<16xi32>,
      %add3A_84 = arith.constant 48 : i32
      %add3A_85 = arith.addi %mul3A_72, %add3A_84 : i32
      %get3A_86 = arith.index_cast %add3A_85 : i32 to index
      %get3A_87 = tpu.vector_load %arg6[%get3A_86] {strides = array<i32>} : memref<8192xi32, #tpu.memory_space<vmem>>, vector<16xi32>,
      %add3A_88 = arith.constant 64 : i32
      %add3A_89 = arith.addi %mul3A_72, %add3A_88 : i32
      %get3A_90 = arith.index_cast %add3A_89 : i32 to index
      %get3A_91 = tpu.vector_load %arg6[%get3A_90] {strides = array<i32>} : memref<8192xi32, #tpu.memory_space<vmem>>, vector<16xi32>,
      %add3A_92 = arith.constant 80 : i32
      %add3A_93 = arith.addi %mul3A_72, %add3A_92 : i32
      %get3A_94 = arith.index_cast %add3A_93 : i32 to index
      %get3A_95 = tpu.vector_load %arg6[%get3A_94] {strides = array<i32>} : memref<8192xi32, #tpu.memory_space<vmem>>, vector<16xi32>,
      %add3A_96 = arith.constant 96 : i32
      %add3A_97 = arith.addi %mul3A_72, %add3A_96 : i32
      %get3A_98 = arith.index_cast %add3A_97 : i32 to index
      %get3A_99 = tpu.vector_load %arg6[%get3A_98] {strides = array<i32>} : memref<8192xi32, #tpu.memory_space<vmem>>, vector<16xi32>,
      %add3A_100 = arith.constant 112 : i32
      %add3A_101 = arith.addi %mul3A_72, %add3A_100 : i32
      %get3A_102 = arith.index_cast %add3A_101 : i32 to index
      %get3A_103 = tpu.vector_load %arg6[%get3A_102] {strides = array<i32>} : memref<8192xi32, #tpu.memory_space<vmem>>, vector<16xi32>,
      %ge3A = arith.constant 51200 : i32
      %ge3A_104 = vector.broadcast %ge3A : i32 to vector<16xi32>
      %ge3A_105 = arith.cmpi sge, %get3A_75, %ge3A_104 : vector<16xi32>
      %jit3A = arith.constant 51200 : i32
      %jit3A_106 = arith.constant 0 : i32
      %broadcast_in_dim3A = vector.broadcast %jit3A : i32 to vector<16xi32>
      %broadcast_in_dim3A_107 = vector.broadcast %jit3A_106 : i32 to vector<16xi32>
      %select_n3A = arith.select %ge3A_105, %broadcast_in_dim3A, %broadcast_in_dim3A_107 : vector<16xi1>, vector<16xi32>
      %sub3A = arith.subi %get3A_75, %select_n3A : vector<16xi32>
      %gather3A = tpu.vector_load_idx %arg5[%sub3A] : memref<51200xi32, #tpu.memory_space<vmem>>[vector<16xi32>], vector<16xi32>,
      %and3A = arith.constant -65536 : i32
      %and3A_108 = vector.broadcast %and3A : i32 to vector<16xi32>
      %and3A_109 = arith.andi %gather3A, %and3A_108 : vector<16xi32>
      %shift_left3A = arith.constant 16 : i32
      %shift_left3A_110 = vector.broadcast %shift_left3A : i32 to vector<16xi32>
      %shift_left3A_111 = arith.shli %gather3A, %shift_left3A_110 : vector<16xi32>
      %select_n3A_112 = arith.select %ge3A_105, %and3A_109, %shift_left3A_111 : vector<16xi1>, vector<16xi32>
      %bitcast3A = vector.bitcast %select_n3A_112 : vector<16xi32> to vector<16xf32>
      %ge3A_113 = arith.constant 51200 : i32
      %ge3A_114 = vector.broadcast %ge3A_113 : i32 to vector<16xi32>
      %ge3A_115 = arith.cmpi sge, %get3A_79, %ge3A_114 : vector<16xi32>
      %jit3A_116 = arith.constant 51200 : i32
      %jit3A_117 = arith.constant 0 : i32
      %broadcast_in_dim3A_118 = vector.broadcast %jit3A_116 : i32 to vector<16xi32>
      %broadcast_in_dim3A_119 = vector.broadcast %jit3A_117 : i32 to vector<16xi32>
      %select_n3A_120 = arith.select %ge3A_115, %broadcast_in_dim3A_118, %broadcast_in_dim3A_119 : vector<16xi1>, vector<16xi32>
      %sub3A_121 = arith.subi %get3A_79, %select_n3A_120 : vector<16xi32>
      %gather3A_122 = tpu.vector_load_idx %arg5[%sub3A_121] : memref<51200xi32, #tpu.memory_space<vmem>>[vector<16xi32>], vector<16xi32>,
      %and3A_123 = arith.constant -65536 : i32
      %and3A_124 = vector.broadcast %and3A_123 : i32 to vector<16xi32>
      %and3A_125 = arith.andi %gather3A_122, %and3A_124 : vector<16xi32>
      %shift_left3A_126 = arith.constant 16 : i32
      %shift_left3A_127 = vector.broadcast %shift_left3A_126 : i32 to vector<16xi32>
      %shift_left3A_128 = arith.shli %gather3A_122, %shift_left3A_127 : vector<16xi32>
      %select_n3A_129 = arith.select %ge3A_115, %and3A_125, %shift_left3A_128 : vector<16xi1>, vector<16xi32>
      %bitcast3A_130 = vector.bitcast %select_n3A_129 : vector<16xi32> to vector<16xf32>
      %ge3A_131 = arith.constant 51200 : i32
      %ge3A_132 = vector.broadcast %ge3A_131 : i32 to vector<16xi32>
      %ge3A_133 = arith.cmpi sge, %get3A_83, %ge3A_132 : vector<16xi32>
      %jit3A_134 = arith.constant 51200 : i32
      %jit3A_135 = arith.constant 0 : i32
      %broadcast_in_dim3A_136 = vector.broadcast %jit3A_134 : i32 to vector<16xi32>
      %broadcast_in_dim3A_137 = vector.broadcast %jit3A_135 : i32 to vector<16xi32>
      %select_n3A_138 = arith.select %ge3A_133, %broadcast_in_dim3A_136, %broadcast_in_dim3A_137 : vector<16xi1>, vector<16xi32>
      %sub3A_139 = arith.subi %get3A_83, %select_n3A_138 : vector<16xi32>
      %gather3A_140 = tpu.vector_load_idx %arg5[%sub3A_139] : memref<51200xi32, #tpu.memory_space<vmem>>[vector<16xi32>], vector<16xi32>,
      %and3A_141 = arith.constant -65536 : i32
      %and3A_142 = vector.broadcast %and3A_141 : i32 to vector<16xi32>
      %and3A_143 = arith.andi %gather3A_140, %and3A_142 : vector<16xi32>
      %shift_left3A_144 = arith.constant 16 : i32
      %shift_left3A_145 = vector.broadcast %shift_left3A_144 : i32 to vector<16xi32>
      %shift_left3A_146 = arith.shli %gather3A_140, %shift_left3A_145 : vector<16xi32>
      %select_n3A_147 = arith.select %ge3A_133, %and3A_143, %shift_left3A_146 : vector<16xi1>, vector<16xi32>
      %bitcast3A_148 = vector.bitcast %select_n3A_147 : vector<16xi32> to vector<16xf32>
      %ge3A_149 = arith.constant 51200 : i32
      %ge3A_150 = vector.broadcast %ge3A_149 : i32 to vector<16xi32>
      %ge3A_151 = arith.cmpi sge, %get3A_87, %ge3A_150 : vector<16xi32>
      %jit3A_152 = arith.constant 51200 : i32
      %jit3A_153 = arith.constant 0 : i32
      %broadcast_in_dim3A_154 = vector.broadcast %jit3A_152 : i32 to vector<16xi32>
      %broadcast_in_dim3A_155 = vector.broadcast %jit3A_153 : i32 to vector<16xi32>
      %select_n3A_156 = arith.select %ge3A_151, %broadcast_in_dim3A_154, %broadcast_in_dim3A_155 : vector<16xi1>, vector<16xi32>
      %sub3A_157 = arith.subi %get3A_87, %select_n3A_156 : vector<16xi32>
      %gather3A_158 = tpu.vector_load_idx %arg5[%sub3A_157] : memref<51200xi32, #tpu.memory_space<vmem>>[vector<16xi32>], vector<16xi32>,
      %and3A_159 = arith.constant -65536 : i32
      %and3A_160 = vector.broadcast %and3A_159 : i32 to vector<16xi32>
      %and3A_161 = arith.andi %gather3A_158, %and3A_160 : vector<16xi32>
      %shift_left3A_162 = arith.constant 16 : i32
      %shift_left3A_163 = vector.broadcast %shift_left3A_162 : i32 to vector<16xi32>
      %shift_left3A_164 = arith.shli %gather3A_158, %shift_left3A_163 : vector<16xi32>
      %select_n3A_165 = arith.select %ge3A_151, %and3A_161, %shift_left3A_164 : vector<16xi1>, vector<16xi32>
      %bitcast3A_166 = vector.bitcast %select_n3A_165 : vector<16xi32> to vector<16xf32>
      %ge3A_167 = arith.constant 51200 : i32
      %ge3A_168 = vector.broadcast %ge3A_167 : i32 to vector<16xi32>
      %ge3A_169 = arith.cmpi sge, %get3A_91, %ge3A_168 : vector<16xi32>
      %jit3A_170 = arith.constant 51200 : i32
      %jit3A_171 = arith.constant 0 : i32
      %broadcast_in_dim3A_172 = vector.broadcast %jit3A_170 : i32 to vector<16xi32>
      %broadcast_in_dim3A_173 = vector.broadcast %jit3A_171 : i32 to vector<16xi32>
      %select_n3A_174 = arith.select %ge3A_169, %broadcast_in_dim3A_172, %broadcast_in_dim3A_173 : vector<16xi1>, vector<16xi32>
      %sub3A_175 = arith.subi %get3A_91, %select_n3A_174 : vector<16xi32>
      %gather3A_176 = tpu.vector_load_idx %arg5[%sub3A_175] : memref<51200xi32, #tpu.memory_space<vmem>>[vector<16xi32>], vector<16xi32>,
      %and3A_177 = arith.constant -65536 : i32
      %and3A_178 = vector.broadcast %and3A_177 : i32 to vector<16xi32>
      %and3A_179 = arith.andi %gather3A_176, %and3A_178 : vector<16xi32>
      %shift_left3A_180 = arith.constant 16 : i32
      %shift_left3A_181 = vector.broadcast %shift_left3A_180 : i32 to vector<16xi32>
      %shift_left3A_182 = arith.shli %gather3A_176, %shift_left3A_181 : vector<16xi32>
      %select_n3A_183 = arith.select %ge3A_169, %and3A_179, %shift_left3A_182 : vector<16xi1>, vector<16xi32>
      %bitcast3A_184 = vector.bitcast %select_n3A_183 : vector<16xi32> to vector<16xf32>
      %ge3A_185 = arith.constant 51200 : i32
      %ge3A_186 = vector.broadcast %ge3A_185 : i32 to vector<16xi32>
      %ge3A_187 = arith.cmpi sge, %get3A_95, %ge3A_186 : vector<16xi32>
      %jit3A_188 = arith.constant 51200 : i32
      %jit3A_189 = arith.constant 0 : i32
      %broadcast_in_dim3A_190 = vector.broadcast %jit3A_188 : i32 to vector<16xi32>
      %broadcast_in_dim3A_191 = vector.broadcast %jit3A_189 : i32 to vector<16xi32>
      %select_n3A_192 = arith.select %ge3A_187, %broadcast_in_dim3A_190, %broadcast_in_dim3A_191 : vector<16xi1>, vector<16xi32>
      %sub3A_193 = arith.subi %get3A_95, %select_n3A_192 : vector<16xi32>
      %gather3A_194 = tpu.vector_load_idx %arg5[%sub3A_193] : memref<51200xi32, #tpu.memory_space<vmem>>[vector<16xi32>], vector<16xi32>,
      %and3A_195 = arith.constant -65536 : i32
      %and3A_196 = vector.broadcast %and3A_195 : i32 to vector<16xi32>
      %and3A_197 = arith.andi %gather3A_194, %and3A_196 : vector<16xi32>
      %shift_left3A_198 = arith.constant 16 : i32
      %shift_left3A_199 = vector.broadcast %shift_left3A_198 : i32 to vector<16xi32>
      %shift_left3A_200 = arith.shli %gather3A_194, %shift_left3A_199 : vector<16xi32>
      %select_n3A_201 = arith.select %ge3A_187, %and3A_197, %shift_left3A_200 : vector<16xi1>, vector<16xi32>
      %bitcast3A_202 = vector.bitcast %select_n3A_201 : vector<16xi32> to vector<16xf32>
      %ge3A_203 = arith.constant 51200 : i32
      %ge3A_204 = vector.broadcast %ge3A_203 : i32 to vector<16xi32>
      %ge3A_205 = arith.cmpi sge, %get3A_99, %ge3A_204 : vector<16xi32>
      %jit3A_206 = arith.constant 51200 : i32
      %jit3A_207 = arith.constant 0 : i32
      %broadcast_in_dim3A_208 = vector.broadcast %jit3A_206 : i32 to vector<16xi32>
      %broadcast_in_dim3A_209 = vector.broadcast %jit3A_207 : i32 to vector<16xi32>
      %select_n3A_210 = arith.select %ge3A_205, %broadcast_in_dim3A_208, %broadcast_in_dim3A_209 : vector<16xi1>, vector<16xi32>
      %sub3A_211 = arith.subi %get3A_99, %select_n3A_210 : vector<16xi32>
      %gather3A_212 = tpu.vector_load_idx %arg5[%sub3A_211] : memref<51200xi32, #tpu.memory_space<vmem>>[vector<16xi32>], vector<16xi32>,
      %and3A_213 = arith.constant -65536 : i32
      %and3A_214 = vector.broadcast %and3A_213 : i32 to vector<16xi32>
      %and3A_215 = arith.andi %gather3A_212, %and3A_214 : vector<16xi32>
      %shift_left3A_216 = arith.constant 16 : i32
      %shift_left3A_217 = vector.broadcast %shift_left3A_216 : i32 to vector<16xi32>
      %shift_left3A_218 = arith.shli %gather3A_212, %shift_left3A_217 : vector<16xi32>
      %select_n3A_219 = arith.select %ge3A_205, %and3A_215, %shift_left3A_218 : vector<16xi1>, vector<16xi32>
      %bitcast3A_220 = vector.bitcast %select_n3A_219 : vector<16xi32> to vector<16xf32>
      %ge3A_221 = arith.constant 51200 : i32
      %ge3A_222 = vector.broadcast %ge3A_221 : i32 to vector<16xi32>
      %ge3A_223 = arith.cmpi sge, %get3A_103, %ge3A_222 : vector<16xi32>
      %jit3A_224 = arith.constant 51200 : i32
      %jit3A_225 = arith.constant 0 : i32
      %broadcast_in_dim3A_226 = vector.broadcast %jit3A_224 : i32 to vector<16xi32>
      %broadcast_in_dim3A_227 = vector.broadcast %jit3A_225 : i32 to vector<16xi32>
      %select_n3A_228 = arith.select %ge3A_223, %broadcast_in_dim3A_226, %broadcast_in_dim3A_227 : vector<16xi1>, vector<16xi32>
      %sub3A_229 = arith.subi %get3A_103, %select_n3A_228 : vector<16xi32>
      %gather3A_230 = tpu.vector_load_idx %arg5[%sub3A_229] : memref<51200xi32, #tpu.memory_space<vmem>>[vector<16xi32>], vector<16xi32>,
      %and3A_231 = arith.constant -65536 : i32
      %and3A_232 = vector.broadcast %and3A_231 : i32 to vector<16xi32>
      %and3A_233 = arith.andi %gather3A_230, %and3A_232 : vector<16xi32>
      %shift_left3A_234 = arith.constant 16 : i32
      %shift_left3A_235 = vector.broadcast %shift_left3A_234 : i32 to vector<16xi32>
      %shift_left3A_236 = arith.shli %gather3A_230, %shift_left3A_235 : vector<16xi32>
      %select_n3A_237 = arith.select %ge3A_223, %and3A_233, %shift_left3A_236 : vector<16xi1>, vector<16xi32>
      %bitcast3A_238 = vector.bitcast %select_n3A_237 : vector<16xi32> to vector<16xf32>
      %add3A_239 = arith.constant 0 : i32
      %add3A_240 = arith.addi %mul3A_72, %add3A_239 : i32
      %swap3A = arith.index_cast %add3A_240 : i32 to index
      %swap3A_241 = tpu.vector_load %arg8[%swap3A] {strides = array<i32>} : memref<8192xf32, #tpu.memory_space<vmem>>, vector<16xf32>,
      tpu.vector_store %arg8[%swap3A], %bitcast3A {strides = array<i32>} : memref<8192xf32, #tpu.memory_space<vmem>>, vector<16xf32>,
      %add3A_242 = arith.constant 16 : i32
      %add3A_243 = arith.addi %mul3A_72, %add3A_242 : i32
      %swap3A_244 = arith.index_cast %add3A_243 : i32 to index
      %swap3A_245 = tpu.vector_load %arg8[%swap3A_244] {strides = array<i32>} : memref<8192xf32, #tpu.memory_space<vmem>>, vector<16xf32>,
      tpu.vector_store %arg8[%swap3A_244], %bitcast3A_130 {strides = array<i32>} : memref<8192xf32, #tpu.memory_space<vmem>>, vector<16xf32>,
      %add3A_246 = arith.constant 32 : i32
      %add3A_247 = arith.addi %mul3A_72, %add3A_246 : i32
      %swap3A_248 = arith.index_cast %add3A_247 : i32 to index
      %swap3A_249 = tpu.vector_load %arg8[%swap3A_248] {strides = array<i32>} : memref<8192xf32, #tpu.memory_space<vmem>>, vector<16xf32>,
      tpu.vector_store %arg8[%swap3A_248], %bitcast3A_148 {strides = array<i32>} : memref<8192xf32, #tpu.memory_space<vmem>>, vector<16xf32>,
      %add3A_250 = arith.constant 48 : i32
      %add3A_251 = arith.addi %mul3A_72, %add3A_250 : i32
      %swap3A_252 = arith.index_cast %add3A_251 : i32 to index
      %swap3A_253 = tpu.vector_load %arg8[%swap3A_252] {strides = array<i32>} : memref<8192xf32, #tpu.memory_space<vmem>>, vector<16xf32>,
      tpu.vector_store %arg8[%swap3A_252], %bitcast3A_166 {strides = array<i32>} : memref<8192xf32, #tpu.memory_space<vmem>>, vector<16xf32>,
      %add3A_254 = arith.constant 64 : i32
      %add3A_255 = arith.addi %mul3A_72, %add3A_254 : i32
      %swap3A_256 = arith.index_cast %add3A_255 : i32 to index
      %swap3A_257 = tpu.vector_load %arg8[%swap3A_256] {strides = array<i32>} : memref<8192xf32, #tpu.memory_space<vmem>>, vector<16xf32>,
      tpu.vector_store %arg8[%swap3A_256], %bitcast3A_184 {strides = array<i32>} : memref<8192xf32, #tpu.memory_space<vmem>>, vector<16xf32>,
      %add3A_258 = arith.constant 80 : i32
      %add3A_259 = arith.addi %mul3A_72, %add3A_258 : i32
      %swap3A_260 = arith.index_cast %add3A_259 : i32 to index
      %swap3A_261 = tpu.vector_load %arg8[%swap3A_260] {strides = array<i32>} : memref<8192xf32, #tpu.memory_space<vmem>>, vector<16xf32>,
      tpu.vector_store %arg8[%swap3A_260], %bitcast3A_202 {strides = array<i32>} : memref<8192xf32, #tpu.memory_space<vmem>>, vector<16xf32>,
      %add3A_262 = arith.constant 96 : i32
      %add3A_263 = arith.addi %mul3A_72, %add3A_262 : i32
      %swap3A_264 = arith.index_cast %add3A_263 : i32 to index
      %swap3A_265 = tpu.vector_load %arg8[%swap3A_264] {strides = array<i32>} : memref<8192xf32, #tpu.memory_space<vmem>>, vector<16xf32>,
      tpu.vector_store %arg8[%swap3A_264], %bitcast3A_220 {strides = array<i32>} : memref<8192xf32, #tpu.memory_space<vmem>>, vector<16xf32>,
      %add3A_266 = arith.constant 112 : i32
      %add3A_267 = arith.addi %mul3A_72, %add3A_266 : i32
      %swap3A_268 = arith.index_cast %add3A_267 : i32 to index
      %swap3A_269 = tpu.vector_load %arg8[%swap3A_268] {strides = array<i32>} : memref<8192xf32, #tpu.memory_space<vmem>>, vector<16xf32>,
      tpu.vector_store %arg8[%swap3A_268], %bitcast3A_238 {strides = array<i32>} : memref<8192xf32, #tpu.memory_space<vmem>>, vector<16xf32>,
    }
    %scan3A_13 = arith.constant 64 : i32
    %add3A_14 = arith.constant 0 : i32
    %add3A_15 = arith.addi %mul3A_2, %add3A_14 : i32
    %dma_start3A_16 = tpu.memref_slice %arg4[%add3A_15] : memref<524288xf32, #tpu.memory_space<hbm>> -> memref<8192xf32, #tpu.memory_space<hbm>>
    %dma_start3A_17 = tpu.memref_slice %arg4[%add3A_15] : memref<524288xf32, #tpu.memory_space<hbm>> -> memref<8192xf32, #tpu.memory_space<hbm>>
    tpu.enqueue_dma source(%arg8 : memref<8192xf32, #tpu.memory_space<vmem>>) target(%dma_start3A_17 : memref<8192xf32, #tpu.memory_space<hbm>>) target_semaphore(%arg13 : memref<!tpu.dma_semaphore, #tpu.memory_space<semaphore_mem>>)
    %add3A_18 = arith.constant 16384 : i32
    %add3A_19 = arith.addi %mul3A_2, %add3A_18 : i32
    %dma_start3A_20 = tpu.memref_slice %arg3[%add3A_19] : memref<524288xi32, #tpu.memory_space<hbm>> -> memref<8192xi32, #tpu.memory_space<hbm>>
    %dma_start3A_21 = tpu.memref_slice %arg3[%add3A_19] : memref<524288xi32, #tpu.memory_space<hbm>> -> memref<8192xi32, #tpu.memory_space<hbm>>
    tpu.enqueue_dma source(%dma_start3A_21 : memref<8192xi32, #tpu.memory_space<hbm>>) target(%arg6 : memref<8192xi32, #tpu.memory_space<vmem>>) target_semaphore(%arg11 : memref<!tpu.dma_semaphore, #tpu.memory_space<semaphore_mem>>)
    %dma_wait3A_22 = tpu.memref_slice %arg3[%add3A_5] : memref<524288xi32, #tpu.memory_space<hbm>> -> memref<8192xi32, #tpu.memory_space<hbm>>
    %dma_wait3A_23 = tpu.memref_slice %arg3[%add3A_5] : memref<524288xi32, #tpu.memory_space<hbm>> -> memref<8192xi32, #tpu.memory_space<hbm>>
    tpu.wait_dma2 semaphore(%arg12 : memref<!tpu.dma_semaphore, #tpu.memory_space<semaphore_mem>>) src(%dma_wait3A_23 : memref<8192xi32, #tpu.memory_space<hbm>>) dst(%arg7 : memref<8192xi32, #tpu.memory_space<vmem>>)
    %scan3A_24 = arith.constant 0 : i32
    %scan3A_25 = arith.constant 0 : i32
    %scan3A_26 = arith.constant 64 : i32
    %scan3A_27 = arith.addi %scan3A_25, %scan3A_26 : i32
    %scan3A_28 = arith.constant 1 : i32
    scf.for %scan3A_70 = %scan3A_25 to %scan3A_27 step %scan3A_28  : i32 {
      %mul3A_71 = arith.constant 128 : i32
      %mul3A_72 = arith.muli %scan3A_70, %mul3A_71 : i32
      %add3A_73 = arith.constant 0 : i32
      %add3A_74 = arith.addi %mul3A_72, %add3A_73 : i32
      %get3A = arith.index_cast %add3A_74 : i32 to index
      %get3A_75 = tpu.vector_load %arg7[%get3A] {strides = array<i32>} : memref<8192xi32, #tpu.memory_space<vmem>>, vector<16xi32>,
      %add3A_76 = arith.constant 16 : i32
      %add3A_77 = arith.addi %mul3A_72, %add3A_76 : i32
      %get3A_78 = arith.index_cast %add3A_77 : i32 to index
      %get3A_79 = tpu.vector_load %arg7[%get3A_78] {strides = array<i32>} : memref<8192xi32, #tpu.memory_space<vmem>>, vector<16xi32>,
      %add3A_80 = arith.constant 32 : i32
      %add3A_81 = arith.addi %mul3A_72, %add3A_80 : i32
      %get3A_82 = arith.index_cast %add3A_81 : i32 to index
      %get3A_83 = tpu.vector_load %arg7[%get3A_82] {strides = array<i32>} : memref<8192xi32, #tpu.memory_space<vmem>>, vector<16xi32>,
      %add3A_84 = arith.constant 48 : i32
      %add3A_85 = arith.addi %mul3A_72, %add3A_84 : i32
      %get3A_86 = arith.index_cast %add3A_85 : i32 to index
      %get3A_87 = tpu.vector_load %arg7[%get3A_86] {strides = array<i32>} : memref<8192xi32, #tpu.memory_space<vmem>>, vector<16xi32>,
      %add3A_88 = arith.constant 64 : i32
      %add3A_89 = arith.addi %mul3A_72, %add3A_88 : i32
      %get3A_90 = arith.index_cast %add3A_89 : i32 to index
      %get3A_91 = tpu.vector_load %arg7[%get3A_90] {strides = array<i32>} : memref<8192xi32, #tpu.memory_space<vmem>>, vector<16xi32>,
      %add3A_92 = arith.constant 80 : i32
      %add3A_93 = arith.addi %mul3A_72, %add3A_92 : i32
      %get3A_94 = arith.index_cast %add3A_93 : i32 to index
      %get3A_95 = tpu.vector_load %arg7[%get3A_94] {strides = array<i32>} : memref<8192xi32, #tpu.memory_space<vmem>>, vector<16xi32>,
      %add3A_96 = arith.constant 96 : i32
      %add3A_97 = arith.addi %mul3A_72, %add3A_96 : i32
      %get3A_98 = arith.index_cast %add3A_97 : i32 to index
      %get3A_99 = tpu.vector_load %arg7[%get3A_98] {strides = array<i32>} : memref<8192xi32, #tpu.memory_space<vmem>>, vector<16xi32>,
      %add3A_100 = arith.constant 112 : i32
      %add3A_101 = arith.addi %mul3A_72, %add3A_100 : i32
      %get3A_102 = arith.index_cast %add3A_101 : i32 to index
      %get3A_103 = tpu.vector_load %arg7[%get3A_102] {strides = array<i32>} : memref<8192xi32, #tpu.memory_space<vmem>>, vector<16xi32>,
      %ge3A = arith.constant 51200 : i32
      %ge3A_104 = vector.broadcast %ge3A : i32 to vector<16xi32>
      %ge3A_105 = arith.cmpi sge, %get3A_75, %ge3A_104 : vector<16xi32>
      %jit3A = arith.constant 51200 : i32
      %jit3A_106 = arith.constant 0 : i32
      %broadcast_in_dim3A = vector.broadcast %jit3A : i32 to vector<16xi32>
      %broadcast_in_dim3A_107 = vector.broadcast %jit3A_106 : i32 to vector<16xi32>
      %select_n3A = arith.select %ge3A_105, %broadcast_in_dim3A, %broadcast_in_dim3A_107 : vector<16xi1>, vector<16xi32>
      %sub3A = arith.subi %get3A_75, %select_n3A : vector<16xi32>
      %gather3A = tpu.vector_load_idx %arg5[%sub3A] : memref<51200xi32, #tpu.memory_space<vmem>>[vector<16xi32>], vector<16xi32>,
      %and3A = arith.constant -65536 : i32
      %and3A_108 = vector.broadcast %and3A : i32 to vector<16xi32>
      %and3A_109 = arith.andi %gather3A, %and3A_108 : vector<16xi32>
      %shift_left3A = arith.constant 16 : i32
      %shift_left3A_110 = vector.broadcast %shift_left3A : i32 to vector<16xi32>
      %shift_left3A_111 = arith.shli %gather3A, %shift_left3A_110 : vector<16xi32>
      %select_n3A_112 = arith.select %ge3A_105, %and3A_109, %shift_left3A_111 : vector<16xi1>, vector<16xi32>
      %bitcast3A = vector.bitcast %select_n3A_112 : vector<16xi32> to vector<16xf32>
      %ge3A_113 = arith.constant 51200 : i32
      %ge3A_114 = vector.broadcast %ge3A_113 : i32 to vector<16xi32>
      %ge3A_115 = arith.cmpi sge, %get3A_79, %ge3A_114 : vector<16xi32>
      %jit3A_116 = arith.constant 51200 : i32
      %jit3A_117 = arith.constant 0 : i32
      %broadcast_in_dim3A_118 = vector.broadcast %jit3A_116 : i32 to vector<16xi32>
      %broadcast_in_dim3A_119 = vector.broadcast %jit3A_117 : i32 to vector<16xi32>
      %select_n3A_120 = arith.select %ge3A_115, %broadcast_in_dim3A_118, %broadcast_in_dim3A_119 : vector<16xi1>, vector<16xi32>
      %sub3A_121 = arith.subi %get3A_79, %select_n3A_120 : vector<16xi32>
      %gather3A_122 = tpu.vector_load_idx %arg5[%sub3A_121] : memref<51200xi32, #tpu.memory_space<vmem>>[vector<16xi32>], vector<16xi32>,
      %and3A_123 = arith.constant -65536 : i32
      %and3A_124 = vector.broadcast %and3A_123 : i32 to vector<16xi32>
      %and3A_125 = arith.andi %gather3A_122, %and3A_124 : vector<16xi32>
      %shift_left3A_126 = arith.constant 16 : i32
      %shift_left3A_127 = vector.broadcast %shift_left3A_126 : i32 to vector<16xi32>
      %shift_left3A_128 = arith.shli %gather3A_122, %shift_left3A_127 : vector<16xi32>
      %select_n3A_129 = arith.select %ge3A_115, %and3A_125, %shift_left3A_128 : vector<16xi1>, vector<16xi32>
      %bitcast3A_130 = vector.bitcast %select_n3A_129 : vector<16xi32> to vector<16xf32>
      %ge3A_131 = arith.constant 51200 : i32
      %ge3A_132 = vector.broadcast %ge3A_131 : i32 to vector<16xi32>
      %ge3A_133 = arith.cmpi sge, %get3A_83, %ge3A_132 : vector<16xi32>
      %jit3A_134 = arith.constant 51200 : i32
      %jit3A_135 = arith.constant 0 : i32
      %broadcast_in_dim3A_136 = vector.broadcast %jit3A_134 : i32 to vector<16xi32>
      %broadcast_in_dim3A_137 = vector.broadcast %jit3A_135 : i32 to vector<16xi32>
      %select_n3A_138 = arith.select %ge3A_133, %broadcast_in_dim3A_136, %broadcast_in_dim3A_137 : vector<16xi1>, vector<16xi32>
      %sub3A_139 = arith.subi %get3A_83, %select_n3A_138 : vector<16xi32>
      %gather3A_140 = tpu.vector_load_idx %arg5[%sub3A_139] : memref<51200xi32, #tpu.memory_space<vmem>>[vector<16xi32>], vector<16xi32>,
      %and3A_141 = arith.constant -65536 : i32
      %and3A_142 = vector.broadcast %and3A_141 : i32 to vector<16xi32>
      %and3A_143 = arith.andi %gather3A_140, %and3A_142 : vector<16xi32>
      %shift_left3A_144 = arith.constant 16 : i32
      %shift_left3A_145 = vector.broadcast %shift_left3A_144 : i32 to vector<16xi32>
      %shift_left3A_146 = arith.shli %gather3A_140, %shift_left3A_145 : vector<16xi32>
      %select_n3A_147 = arith.select %ge3A_133, %and3A_143, %shift_left3A_146 : vector<16xi1>, vector<16xi32>
      %bitcast3A_148 = vector.bitcast %select_n3A_147 : vector<16xi32> to vector<16xf32>
      %ge3A_149 = arith.constant 51200 : i32
      %ge3A_150 = vector.broadcast %ge3A_149 : i32 to vector<16xi32>
      %ge3A_151 = arith.cmpi sge, %get3A_87, %ge3A_150 : vector<16xi32>
      %jit3A_152 = arith.constant 51200 : i32
      %jit3A_153 = arith.constant 0 : i32
      %broadcast_in_dim3A_154 = vector.broadcast %jit3A_152 : i32 to vector<16xi32>
      %broadcast_in_dim3A_155 = vector.broadcast %jit3A_153 : i32 to vector<16xi32>
      %select_n3A_156 = arith.select %ge3A_151, %broadcast_in_dim3A_154, %broadcast_in_dim3A_155 : vector<16xi1>, vector<16xi32>
      %sub3A_157 = arith.subi %get3A_87, %select_n3A_156 : vector<16xi32>
      %gather3A_158 = tpu.vector_load_idx %arg5[%sub3A_157] : memref<51200xi32, #tpu.memory_space<vmem>>[vector<16xi32>], vector<16xi32>,
      %and3A_159 = arith.constant -65536 : i32
      %and3A_160 = vector.broadcast %and3A_159 : i32 to vector<16xi32>
      %and3A_161 = arith.andi %gather3A_158, %and3A_160 : vector<16xi32>
      %shift_left3A_162 = arith.constant 16 : i32
      %shift_left3A_163 = vector.broadcast %shift_left3A_162 : i32 to vector<16xi32>
      %shift_left3A_164 = arith.shli %gather3A_158, %shift_left3A_163 : vector<16xi32>
      %select_n3A_165 = arith.select %ge3A_151, %and3A_161, %shift_left3A_164 : vector<16xi1>, vector<16xi32>
      %bitcast3A_166 = vector.bitcast %select_n3A_165 : vector<16xi32> to vector<16xf32>
      %ge3A_167 = arith.constant 51200 : i32
      %ge3A_168 = vector.broadcast %ge3A_167 : i32 to vector<16xi32>
      %ge3A_169 = arith.cmpi sge, %get3A_91, %ge3A_168 : vector<16xi32>
      %jit3A_170 = arith.constant 51200 : i32
      %jit3A_171 = arith.constant 0 : i32
      %broadcast_in_dim3A_172 = vector.broadcast %jit3A_170 : i32 to vector<16xi32>
      %broadcast_in_dim3A_173 = vector.broadcast %jit3A_171 : i32 to vector<16xi32>
      %select_n3A_174 = arith.select %ge3A_169, %broadcast_in_dim3A_172, %broadcast_in_dim3A_173 : vector<16xi1>, vector<16xi32>
      %sub3A_175 = arith.subi %get3A_91, %select_n3A_174 : vector<16xi32>
      %gather3A_176 = tpu.vector_load_idx %arg5[%sub3A_175] : memref<51200xi32, #tpu.memory_space<vmem>>[vector<16xi32>], vector<16xi32>,
      %and3A_177 = arith.constant -65536 : i32
      %and3A_178 = vector.broadcast %and3A_177 : i32 to vector<16xi32>
      %and3A_179 = arith.andi %gather3A_176, %and3A_178 : vector<16xi32>
      %shift_left3A_180 = arith.constant 16 : i32
      %shift_left3A_181 = vector.broadcast %shift_left3A_180 : i32 to vector<16xi32>
      %shift_left3A_182 = arith.shli %gather3A_176, %shift_left3A_181 : vector<16xi32>
      %select_n3A_183 = arith.select %ge3A_169, %and3A_179, %shift_left3A_182 : vector<16xi1>, vector<16xi32>
      %bitcast3A_184 = vector.bitcast %select_n3A_183 : vector<16xi32> to vector<16xf32>
      %ge3A_185 = arith.constant 51200 : i32
      %ge3A_186 = vector.broadcast %ge3A_185 : i32 to vector<16xi32>
      %ge3A_187 = arith.cmpi sge, %get3A_95, %ge3A_186 : vector<16xi32>
      %jit3A_188 = arith.constant 51200 : i32
      %jit3A_189 = arith.constant 0 : i32
      %broadcast_in_dim3A_190 = vector.broadcast %jit3A_188 : i32 to vector<16xi32>
      %broadcast_in_dim3A_191 = vector.broadcast %jit3A_189 : i32 to vector<16xi32>
      %select_n3A_192 = arith.select %ge3A_187, %broadcast_in_dim3A_190, %broadcast_in_dim3A_191 : vector<16xi1>, vector<16xi32>
      %sub3A_193 = arith.subi %get3A_95, %select_n3A_192 : vector<16xi32>
      %gather3A_194 = tpu.vector_load_idx %arg5[%sub3A_193] : memref<51200xi32, #tpu.memory_space<vmem>>[vector<16xi32>], vector<16xi32>,
      %and3A_195 = arith.constant -65536 : i32
      %and3A_196 = vector.broadcast %and3A_195 : i32 to vector<16xi32>
      %and3A_197 = arith.andi %gather3A_194, %and3A_196 : vector<16xi32>
      %shift_left3A_198 = arith.constant 16 : i32
      %shift_left3A_199 = vector.broadcast %shift_left3A_198 : i32 to vector<16xi32>
      %shift_left3A_200 = arith.shli %gather3A_194, %shift_left3A_199 : vector<16xi32>
      %select_n3A_201 = arith.select %ge3A_187, %and3A_197, %shift_left3A_200 : vector<16xi1>, vector<16xi32>
      %bitcast3A_202 = vector.bitcast %select_n3A_201 : vector<16xi32> to vector<16xf32>
      %ge3A_203 = arith.constant 51200 : i32
      %ge3A_204 = vector.broadcast %ge3A_203 : i32 to vector<16xi32>
      %ge3A_205 = arith.cmpi sge, %get3A_99, %ge3A_204 : vector<16xi32>
      %jit3A_206 = arith.constant 51200 : i32
      %jit3A_207 = arith.constant 0 : i32
      %broadcast_in_dim3A_208 = vector.broadcast %jit3A_206 : i32 to vector<16xi32>
      %broadcast_in_dim3A_209 = vector.broadcast %jit3A_207 : i32 to vector<16xi32>
      %select_n3A_210 = arith.select %ge3A_205, %broadcast_in_dim3A_208, %broadcast_in_dim3A_209 : vector<16xi1>, vector<16xi32>
      %sub3A_211 = arith.subi %get3A_99, %select_n3A_210 : vector<16xi32>
      %gather3A_212 = tpu.vector_load_idx %arg5[%sub3A_211] : memref<51200xi32, #tpu.memory_space<vmem>>[vector<16xi32>], vector<16xi32>,
      %and3A_213 = arith.constant -65536 : i32
      %and3A_214 = vector.broadcast %and3A_213 : i32 to vector<16xi32>
      %and3A_215 = arith.andi %gather3A_212, %and3A_214 : vector<16xi32>
      %shift_left3A_216 = arith.constant 16 : i32
      %shift_left3A_217 = vector.broadcast %shift_left3A_216 : i32 to vector<16xi32>
      %shift_left3A_218 = arith.shli %gather3A_212, %shift_left3A_217 : vector<16xi32>
      %select_n3A_219 = arith.select %ge3A_205, %and3A_215, %shift_left3A_218 : vector<16xi1>, vector<16xi32>
      %bitcast3A_220 = vector.bitcast %select_n3A_219 : vector<16xi32> to vector<16xf32>
      %ge3A_221 = arith.constant 51200 : i32
      %ge3A_222 = vector.broadcast %ge3A_221 : i32 to vector<16xi32>
      %ge3A_223 = arith.cmpi sge, %get3A_103, %ge3A_222 : vector<16xi32>
      %jit3A_224 = arith.constant 51200 : i32
      %jit3A_225 = arith.constant 0 : i32
      %broadcast_in_dim3A_226 = vector.broadcast %jit3A_224 : i32 to vector<16xi32>
      %broadcast_in_dim3A_227 = vector.broadcast %jit3A_225 : i32 to vector<16xi32>
      %select_n3A_228 = arith.select %ge3A_223, %broadcast_in_dim3A_226, %broadcast_in_dim3A_227 : vector<16xi1>, vector<16xi32>
      %sub3A_229 = arith.subi %get3A_103, %select_n3A_228 : vector<16xi32>
      %gather3A_230 = tpu.vector_load_idx %arg5[%sub3A_229] : memref<51200xi32, #tpu.memory_space<vmem>>[vector<16xi32>], vector<16xi32>,
      %and3A_231 = arith.constant -65536 : i32
      %and3A_232 = vector.broadcast %and3A_231 : i32 to vector<16xi32>
      %and3A_233 = arith.andi %gather3A_230, %and3A_232 : vector<16xi32>
      %shift_left3A_234 = arith.constant 16 : i32
      %shift_left3A_235 = vector.broadcast %shift_left3A_234 : i32 to vector<16xi32>
      %shift_left3A_236 = arith.shli %gather3A_230, %shift_left3A_235 : vector<16xi32>
      %select_n3A_237 = arith.select %ge3A_223, %and3A_233, %shift_left3A_236 : vector<16xi1>, vector<16xi32>
      %bitcast3A_238 = vector.bitcast %select_n3A_237 : vector<16xi32> to vector<16xf32>
      %add3A_239 = arith.constant 0 : i32
      %add3A_240 = arith.addi %mul3A_72, %add3A_239 : i32
      %swap3A = arith.index_cast %add3A_240 : i32 to index
      %swap3A_241 = tpu.vector_load %arg9[%swap3A] {strides = array<i32>} : memref<8192xf32, #tpu.memory_space<vmem>>, vector<16xf32>,
      tpu.vector_store %arg9[%swap3A], %bitcast3A {strides = array<i32>} : memref<8192xf32, #tpu.memory_space<vmem>>, vector<16xf32>,
      %add3A_242 = arith.constant 16 : i32
      %add3A_243 = arith.addi %mul3A_72, %add3A_242 : i32
      %swap3A_244 = arith.index_cast %add3A_243 : i32 to index
      %swap3A_245 = tpu.vector_load %arg9[%swap3A_244] {strides = array<i32>} : memref<8192xf32, #tpu.memory_space<vmem>>, vector<16xf32>,
      tpu.vector_store %arg9[%swap3A_244], %bitcast3A_130 {strides = array<i32>} : memref<8192xf32, #tpu.memory_space<vmem>>, vector<16xf32>,
      %add3A_246 = arith.constant 32 : i32
      %add3A_247 = arith.addi %mul3A_72, %add3A_246 : i32
      %swap3A_248 = arith.index_cast %add3A_247 : i32 to index
      %swap3A_249 = tpu.vector_load %arg9[%swap3A_248] {strides = array<i32>} : memref<8192xf32, #tpu.memory_space<vmem>>, vector<16xf32>,
      tpu.vector_store %arg9[%swap3A_248], %bitcast3A_148 {strides = array<i32>} : memref<8192xf32, #tpu.memory_space<vmem>>, vector<16xf32>,
      %add3A_250 = arith.constant 48 : i32
      %add3A_251 = arith.addi %mul3A_72, %add3A_250 : i32
      %swap3A_252 = arith.index_cast %add3A_251 : i32 to index
      %swap3A_253 = tpu.vector_load %arg9[%swap3A_252] {strides = array<i32>} : memref<8192xf32, #tpu.memory_space<vmem>>, vector<16xf32>,
      tpu.vector_store %arg9[%swap3A_252], %bitcast3A_166 {strides = array<i32>} : memref<8192xf32, #tpu.memory_space<vmem>>, vector<16xf32>,
      %add3A_254 = arith.constant 64 : i32
      %add3A_255 = arith.addi %mul3A_72, %add3A_254 : i32
      %swap3A_256 = arith.index_cast %add3A_255 : i32 to index
      %swap3A_257 = tpu.vector_load %arg9[%swap3A_256] {strides = array<i32>} : memref<8192xf32, #tpu.memory_space<vmem>>, vector<16xf32>,
      tpu.vector_store %arg9[%swap3A_256], %bitcast3A_184 {strides = array<i32>} : memref<8192xf32, #tpu.memory_space<vmem>>, vector<16xf32>,
      %add3A_258 = arith.constant 80 : i32
      %add3A_259 = arith.addi %mul3A_72, %add3A_258 : i32
      %swap3A_260 = arith.index_cast %add3A_259 : i32 to index
      %swap3A_261 = tpu.vector_load %arg9[%swap3A_260] {strides = array<i32>} : memref<8192xf32, #tpu.memory_space<vmem>>, vector<16xf32>,
      tpu.vector_store %arg9[%swap3A_260], %bitcast3A_202 {strides = array<i32>} : memref<8192xf32, #tpu.memory_space<vmem>>, vector<16xf32>,
      %add3A_262 = arith.constant 96 : i32
      %add3A_263 = arith.addi %mul3A_72, %add3A_262 : i32
      %swap3A_264 = arith.index_cast %add3A_263 : i32 to index
      %swap3A_265 = tpu.vector_load %arg9[%swap3A_264] {strides = array<i32>} : memref<8192xf32, #tpu.memory_space<vmem>>, vector<16xf32>,
      tpu.vector_store %arg9[%swap3A_264], %bitcast3A_220 {strides = array<i32>} : memref<8192xf32, #tpu.memory_space<vmem>>, vector<16xf32>,
      %add3A_266 = arith.constant 112 : i32
      %add3A_267 = arith.addi %mul3A_72, %add3A_266 : i32
      %swap3A_268 = arith.index_cast %add3A_267 : i32 to index
      %swap3A_269 = tpu.vector_load %arg9[%swap3A_268] {strides = array<i32>} : memref<8192xf32, #tpu.memory_space<vmem>>, vector<16xf32>,
      tpu.vector_store %arg9[%swap3A_268], %bitcast3A_238 {strides = array<i32>} : memref<8192xf32, #tpu.memory_space<vmem>>, vector<16xf32>,
    }
    %scan3A_29 = arith.constant 64 : i32
    %add3A_30 = arith.constant 8192 : i32
    %add3A_31 = arith.addi %mul3A_2, %add3A_30 : i32
    %dma_start3A_32 = tpu.memref_slice %arg4[%add3A_31] : memref<524288xf32, #tpu.memory_space<hbm>> -> memref<8192xf32, #tpu.memory_space<hbm>>
    %dma_start3A_33 = tpu.memref_slice %arg4[%add3A_31] : memref<524288xf32, #tpu.memory_space<hbm>> -> memref<8192xf32, #tpu.memory_space<hbm>>
    tpu.enqueue_dma source(%arg9 : memref<8192xf32, #tpu.memory_space<vmem>>) target(%dma_start3A_33 : memref<8192xf32, #tpu.memory_space<hbm>>) target_semaphore(%arg14 : memref<!tpu.dma_semaphore, #tpu.memory_space<semaphore_mem>>)
    %add3A_34 = arith.constant 24576 : i32
    %add3A_35 = arith.addi %mul3A_2, %add3A_34 : i32
    %dma_start3A_36 = tpu.memref_slice %arg3[%add3A_35] : memref<524288xi32, #tpu.memory_space<hbm>> -> memref<8192xi32, #tpu.memory_space<hbm>>
    %dma_start3A_37 = tpu.memref_slice %arg3[%add3A_35] : memref<524288xi32, #tpu.memory_space<hbm>> -> memref<8192xi32, #tpu.memory_space<hbm>>
    tpu.enqueue_dma source(%dma_start3A_37 : memref<8192xi32, #tpu.memory_space<hbm>>) target(%arg7 : memref<8192xi32, #tpu.memory_space<vmem>>) target_semaphore(%arg12 : memref<!tpu.dma_semaphore, #tpu.memory_space<semaphore_mem>>)
    %dma_wait3A_38 = tpu.memref_slice %arg3[%add3A_19] : memref<524288xi32, #tpu.memory_space<hbm>> -> memref<8192xi32, #tpu.memory_space<hbm>>
    %dma_wait3A_39 = tpu.memref_slice %arg3[%add3A_19] : memref<524288xi32, #tpu.memory_space<hbm>> -> memref<8192xi32, #tpu.memory_space<hbm>>
    tpu.wait_dma2 semaphore(%arg11 : memref<!tpu.dma_semaphore, #tpu.memory_space<semaphore_mem>>) src(%dma_wait3A_39 : memref<8192xi32, #tpu.memory_space<hbm>>) dst(%arg6 : memref<8192xi32, #tpu.memory_space<vmem>>)
    %dma_wait3A_40 = tpu.memref_slice %arg4[%add3A_15] : memref<524288xf32, #tpu.memory_space<hbm>> -> memref<8192xf32, #tpu.memory_space<hbm>>
    %dma_wait3A_41 = tpu.memref_slice %arg4[%add3A_15] : memref<524288xf32, #tpu.memory_space<hbm>> -> memref<8192xf32, #tpu.memory_space<hbm>>
    tpu.wait_dma2 semaphore(%arg13 : memref<!tpu.dma_semaphore, #tpu.memory_space<semaphore_mem>>) src(%arg8 : memref<8192xf32, #tpu.memory_space<vmem>>) dst(%dma_wait3A_41 : memref<8192xf32, #tpu.memory_space<hbm>>)
    %scan3A_42 = arith.constant 0 : i32
    %scan3A_43 = arith.constant 0 : i32
    %scan3A_44 = arith.constant 64 : i32
    %scan3A_45 = arith.addi %scan3A_43, %scan3A_44 : i32
    %scan3A_46 = arith.constant 1 : i32
    scf.for %scan3A_70 = %scan3A_43 to %scan3A_45 step %scan3A_46  : i32 {
      %mul3A_71 = arith.constant 128 : i32
      %mul3A_72 = arith.muli %scan3A_70, %mul3A_71 : i32
      %add3A_73 = arith.constant 0 : i32
      %add3A_74 = arith.addi %mul3A_72, %add3A_73 : i32
      %get3A = arith.index_cast %add3A_74 : i32 to index
      %get3A_75 = tpu.vector_load %arg6[%get3A] {strides = array<i32>} : memref<8192xi32, #tpu.memory_space<vmem>>, vector<16xi32>,
      %add3A_76 = arith.constant 16 : i32
      %add3A_77 = arith.addi %mul3A_72, %add3A_76 : i32
      %get3A_78 = arith.index_cast %add3A_77 : i32 to index
      %get3A_79 = tpu.vector_load %arg6[%get3A_78] {strides = array<i32>} : memref<8192xi32, #tpu.memory_space<vmem>>, vector<16xi32>,
      %add3A_80 = arith.constant 32 : i32
      %add3A_81 = arith.addi %mul3A_72, %add3A_80 : i32
      %get3A_82 = arith.index_cast %add3A_81 : i32 to index
      %get3A_83 = tpu.vector_load %arg6[%get3A_82] {strides = array<i32>} : memref<8192xi32, #tpu.memory_space<vmem>>, vector<16xi32>,
      %add3A_84 = arith.constant 48 : i32
      %add3A_85 = arith.addi %mul3A_72, %add3A_84 : i32
      %get3A_86 = arith.index_cast %add3A_85 : i32 to index
      %get3A_87 = tpu.vector_load %arg6[%get3A_86] {strides = array<i32>} : memref<8192xi32, #tpu.memory_space<vmem>>, vector<16xi32>,
      %add3A_88 = arith.constant 64 : i32
      %add3A_89 = arith.addi %mul3A_72, %add3A_88 : i32
      %get3A_90 = arith.index_cast %add3A_89 : i32 to index
      %get3A_91 = tpu.vector_load %arg6[%get3A_90] {strides = array<i32>} : memref<8192xi32, #tpu.memory_space<vmem>>, vector<16xi32>,
      %add3A_92 = arith.constant 80 : i32
      %add3A_93 = arith.addi %mul3A_72, %add3A_92 : i32
      %get3A_94 = arith.index_cast %add3A_93 : i32 to index
      %get3A_95 = tpu.vector_load %arg6[%get3A_94] {strides = array<i32>} : memref<8192xi32, #tpu.memory_space<vmem>>, vector<16xi32>,
      %add3A_96 = arith.constant 96 : i32
      %add3A_97 = arith.addi %mul3A_72, %add3A_96 : i32
      %get3A_98 = arith.index_cast %add3A_97 : i32 to index
      %get3A_99 = tpu.vector_load %arg6[%get3A_98] {strides = array<i32>} : memref<8192xi32, #tpu.memory_space<vmem>>, vector<16xi32>,
      %add3A_100 = arith.constant 112 : i32
      %add3A_101 = arith.addi %mul3A_72, %add3A_100 : i32
      %get3A_102 = arith.index_cast %add3A_101 : i32 to index
      %get3A_103 = tpu.vector_load %arg6[%get3A_102] {strides = array<i32>} : memref<8192xi32, #tpu.memory_space<vmem>>, vector<16xi32>,
      %ge3A = arith.constant 51200 : i32
      %ge3A_104 = vector.broadcast %ge3A : i32 to vector<16xi32>
      %ge3A_105 = arith.cmpi sge, %get3A_75, %ge3A_104 : vector<16xi32>
      %jit3A = arith.constant 51200 : i32
      %jit3A_106 = arith.constant 0 : i32
      %broadcast_in_dim3A = vector.broadcast %jit3A : i32 to vector<16xi32>
      %broadcast_in_dim3A_107 = vector.broadcast %jit3A_106 : i32 to vector<16xi32>
      %select_n3A = arith.select %ge3A_105, %broadcast_in_dim3A, %broadcast_in_dim3A_107 : vector<16xi1>, vector<16xi32>
      %sub3A = arith.subi %get3A_75, %select_n3A : vector<16xi32>
      %gather3A = tpu.vector_load_idx %arg5[%sub3A] : memref<51200xi32, #tpu.memory_space<vmem>>[vector<16xi32>], vector<16xi32>,
      %and3A = arith.constant -65536 : i32
      %and3A_108 = vector.broadcast %and3A : i32 to vector<16xi32>
      %and3A_109 = arith.andi %gather3A, %and3A_108 : vector<16xi32>
      %shift_left3A = arith.constant 16 : i32
      %shift_left3A_110 = vector.broadcast %shift_left3A : i32 to vector<16xi32>
      %shift_left3A_111 = arith.shli %gather3A, %shift_left3A_110 : vector<16xi32>
      %select_n3A_112 = arith.select %ge3A_105, %and3A_109, %shift_left3A_111 : vector<16xi1>, vector<16xi32>
      %bitcast3A = vector.bitcast %select_n3A_112 : vector<16xi32> to vector<16xf32>
      %ge3A_113 = arith.constant 51200 : i32
      %ge3A_114 = vector.broadcast %ge3A_113 : i32 to vector<16xi32>
      %ge3A_115 = arith.cmpi sge, %get3A_79, %ge3A_114 : vector<16xi32>
      %jit3A_116 = arith.constant 51200 : i32
      %jit3A_117 = arith.constant 0 : i32
      %broadcast_in_dim3A_118 = vector.broadcast %jit3A_116 : i32 to vector<16xi32>
      %broadcast_in_dim3A_119 = vector.broadcast %jit3A_117 : i32 to vector<16xi32>
      %select_n3A_120 = arith.select %ge3A_115, %broadcast_in_dim3A_118, %broadcast_in_dim3A_119 : vector<16xi1>, vector<16xi32>
      %sub3A_121 = arith.subi %get3A_79, %select_n3A_120 : vector<16xi32>
      %gather3A_122 = tpu.vector_load_idx %arg5[%sub3A_121] : memref<51200xi32, #tpu.memory_space<vmem>>[vector<16xi32>], vector<16xi32>,
      %and3A_123 = arith.constant -65536 : i32
      %and3A_124 = vector.broadcast %and3A_123 : i32 to vector<16xi32>
      %and3A_125 = arith.andi %gather3A_122, %and3A_124 : vector<16xi32>
      %shift_left3A_126 = arith.constant 16 : i32
      %shift_left3A_127 = vector.broadcast %shift_left3A_126 : i32 to vector<16xi32>
      %shift_left3A_128 = arith.shli %gather3A_122, %shift_left3A_127 : vector<16xi32>
      %select_n3A_129 = arith.select %ge3A_115, %and3A_125, %shift_left3A_128 : vector<16xi1>, vector<16xi32>
      %bitcast3A_130 = vector.bitcast %select_n3A_129 : vector<16xi32> to vector<16xf32>
      %ge3A_131 = arith.constant 51200 : i32
      %ge3A_132 = vector.broadcast %ge3A_131 : i32 to vector<16xi32>
      %ge3A_133 = arith.cmpi sge, %get3A_83, %ge3A_132 : vector<16xi32>
      %jit3A_134 = arith.constant 51200 : i32
      %jit3A_135 = arith.constant 0 : i32
      %broadcast_in_dim3A_136 = vector.broadcast %jit3A_134 : i32 to vector<16xi32>
      %broadcast_in_dim3A_137 = vector.broadcast %jit3A_135 : i32 to vector<16xi32>
      %select_n3A_138 = arith.select %ge3A_133, %broadcast_in_dim3A_136, %broadcast_in_dim3A_137 : vector<16xi1>, vector<16xi32>
      %sub3A_139 = arith.subi %get3A_83, %select_n3A_138 : vector<16xi32>
      %gather3A_140 = tpu.vector_load_idx %arg5[%sub3A_139] : memref<51200xi32, #tpu.memory_space<vmem>>[vector<16xi32>], vector<16xi32>,
      %and3A_141 = arith.constant -65536 : i32
      %and3A_142 = vector.broadcast %and3A_141 : i32 to vector<16xi32>
      %and3A_143 = arith.andi %gather3A_140, %and3A_142 : vector<16xi32>
      %shift_left3A_144 = arith.constant 16 : i32
      %shift_left3A_145 = vector.broadcast %shift_left3A_144 : i32 to vector<16xi32>
      %shift_left3A_146 = arith.shli %gather3A_140, %shift_left3A_145 : vector<16xi32>
      %select_n3A_147 = arith.select %ge3A_133, %and3A_143, %shift_left3A_146 : vector<16xi1>, vector<16xi32>
      %bitcast3A_148 = vector.bitcast %select_n3A_147 : vector<16xi32> to vector<16xf32>
      %ge3A_149 = arith.constant 51200 : i32
      %ge3A_150 = vector.broadcast %ge3A_149 : i32 to vector<16xi32>
      %ge3A_151 = arith.cmpi sge, %get3A_87, %ge3A_150 : vector<16xi32>
      %jit3A_152 = arith.constant 51200 : i32
      %jit3A_153 = arith.constant 0 : i32
      %broadcast_in_dim3A_154 = vector.broadcast %jit3A_152 : i32 to vector<16xi32>
      %broadcast_in_dim3A_155 = vector.broadcast %jit3A_153 : i32 to vector<16xi32>
      %select_n3A_156 = arith.select %ge3A_151, %broadcast_in_dim3A_154, %broadcast_in_dim3A_155 : vector<16xi1>, vector<16xi32>
      %sub3A_157 = arith.subi %get3A_87, %select_n3A_156 : vector<16xi32>
      %gather3A_158 = tpu.vector_load_idx %arg5[%sub3A_157] : memref<51200xi32, #tpu.memory_space<vmem>>[vector<16xi32>], vector<16xi32>,
      %and3A_159 = arith.constant -65536 : i32
      %and3A_160 = vector.broadcast %and3A_159 : i32 to vector<16xi32>
      %and3A_161 = arith.andi %gather3A_158, %and3A_160 : vector<16xi32>
      %shift_left3A_162 = arith.constant 16 : i32
      %shift_left3A_163 = vector.broadcast %shift_left3A_162 : i32 to vector<16xi32>
      %shift_left3A_164 = arith.shli %gather3A_158, %shift_left3A_163 : vector<16xi32>
      %select_n3A_165 = arith.select %ge3A_151, %and3A_161, %shift_left3A_164 : vector<16xi1>, vector<16xi32>
      %bitcast3A_166 = vector.bitcast %select_n3A_165 : vector<16xi32> to vector<16xf32>
      %ge3A_167 = arith.constant 51200 : i32
      %ge3A_168 = vector.broadcast %ge3A_167 : i32 to vector<16xi32>
      %ge3A_169 = arith.cmpi sge, %get3A_91, %ge3A_168 : vector<16xi32>
      %jit3A_170 = arith.constant 51200 : i32
      %jit3A_171 = arith.constant 0 : i32
      %broadcast_in_dim3A_172 = vector.broadcast %jit3A_170 : i32 to vector<16xi32>
      %broadcast_in_dim3A_173 = vector.broadcast %jit3A_171 : i32 to vector<16xi32>
      %select_n3A_174 = arith.select %ge3A_169, %broadcast_in_dim3A_172, %broadcast_in_dim3A_173 : vector<16xi1>, vector<16xi32>
      %sub3A_175 = arith.subi %get3A_91, %select_n3A_174 : vector<16xi32>
      %gather3A_176 = tpu.vector_load_idx %arg5[%sub3A_175] : memref<51200xi32, #tpu.memory_space<vmem>>[vector<16xi32>], vector<16xi32>,
      %and3A_177 = arith.constant -65536 : i32
      %and3A_178 = vector.broadcast %and3A_177 : i32 to vector<16xi32>
      %and3A_179 = arith.andi %gather3A_176, %and3A_178 : vector<16xi32>
      %shift_left3A_180 = arith.constant 16 : i32
      %shift_left3A_181 = vector.broadcast %shift_left3A_180 : i32 to vector<16xi32>
      %shift_left3A_182 = arith.shli %gather3A_176, %shift_left3A_181 : vector<16xi32>
      %select_n3A_183 = arith.select %ge3A_169, %and3A_179, %shift_left3A_182 : vector<16xi1>, vector<16xi32>
      %bitcast3A_184 = vector.bitcast %select_n3A_183 : vector<16xi32> to vector<16xf32>
      %ge3A_185 = arith.constant 51200 : i32
      %ge3A_186 = vector.broadcast %ge3A_185 : i32 to vector<16xi32>
      %ge3A_187 = arith.cmpi sge, %get3A_95, %ge3A_186 : vector<16xi32>
      %jit3A_188 = arith.constant 51200 : i32
      %jit3A_189 = arith.constant 0 : i32
      %broadcast_in_dim3A_190 = vector.broadcast %jit3A_188 : i32 to vector<16xi32>
      %broadcast_in_dim3A_191 = vector.broadcast %jit3A_189 : i32 to vector<16xi32>
      %select_n3A_192 = arith.select %ge3A_187, %broadcast_in_dim3A_190, %broadcast_in_dim3A_191 : vector<16xi1>, vector<16xi32>
      %sub3A_193 = arith.subi %get3A_95, %select_n3A_192 : vector<16xi32>
      %gather3A_194 = tpu.vector_load_idx %arg5[%sub3A_193] : memref<51200xi32, #tpu.memory_space<vmem>>[vector<16xi32>], vector<16xi32>,
      %and3A_195 = arith.constant -65536 : i32
      %and3A_196 = vector.broadcast %and3A_195 : i32 to vector<16xi32>
      %and3A_197 = arith.andi %gather3A_194, %and3A_196 : vector<16xi32>
      %shift_left3A_198 = arith.constant 16 : i32
      %shift_left3A_199 = vector.broadcast %shift_left3A_198 : i32 to vector<16xi32>
      %shift_left3A_200 = arith.shli %gather3A_194, %shift_left3A_199 : vector<16xi32>
      %select_n3A_201 = arith.select %ge3A_187, %and3A_197, %shift_left3A_200 : vector<16xi1>, vector<16xi32>
      %bitcast3A_202 = vector.bitcast %select_n3A_201 : vector<16xi32> to vector<16xf32>
      %ge3A_203 = arith.constant 51200 : i32
      %ge3A_204 = vector.broadcast %ge3A_203 : i32 to vector<16xi32>
      %ge3A_205 = arith.cmpi sge, %get3A_99, %ge3A_204 : vector<16xi32>
      %jit3A_206 = arith.constant 51200 : i32
      %jit3A_207 = arith.constant 0 : i32
      %broadcast_in_dim3A_208 = vector.broadcast %jit3A_206 : i32 to vector<16xi32>
      %broadcast_in_dim3A_209 = vector.broadcast %jit3A_207 : i32 to vector<16xi32>
      %select_n3A_210 = arith.select %ge3A_205, %broadcast_in_dim3A_208, %broadcast_in_dim3A_209 : vector<16xi1>, vector<16xi32>
      %sub3A_211 = arith.subi %get3A_99, %select_n3A_210 : vector<16xi32>
      %gather3A_212 = tpu.vector_load_idx %arg5[%sub3A_211] : memref<51200xi32, #tpu.memory_space<vmem>>[vector<16xi32>], vector<16xi32>,
      %and3A_213 = arith.constant -65536 : i32
      %and3A_214 = vector.broadcast %and3A_213 : i32 to vector<16xi32>
      %and3A_215 = arith.andi %gather3A_212, %and3A_214 : vector<16xi32>
      %shift_left3A_216 = arith.constant 16 : i32
      %shift_left3A_217 = vector.broadcast %shift_left3A_216 : i32 to vector<16xi32>
      %shift_left3A_218 = arith.shli %gather3A_212, %shift_left3A_217 : vector<16xi32>
      %select_n3A_219 = arith.select %ge3A_205, %and3A_215, %shift_left3A_218 : vector<16xi1>, vector<16xi32>
      %bitcast3A_220 = vector.bitcast %select_n3A_219 : vector<16xi32> to vector<16xf32>
      %ge3A_221 = arith.constant 51200 : i32
      %ge3A_222 = vector.broadcast %ge3A_221 : i32 to vector<16xi32>
      %ge3A_223 = arith.cmpi sge, %get3A_103, %ge3A_222 : vector<16xi32>
      %jit3A_224 = arith.constant 51200 : i32
      %jit3A_225 = arith.constant 0 : i32
      %broadcast_in_dim3A_226 = vector.broadcast %jit3A_224 : i32 to vector<16xi32>
      %broadcast_in_dim3A_227 = vector.broadcast %jit3A_225 : i32 to vector<16xi32>
      %select_n3A_228 = arith.select %ge3A_223, %broadcast_in_dim3A_226, %broadcast_in_dim3A_227 : vector<16xi1>, vector<16xi32>
      %sub3A_229 = arith.subi %get3A_103, %select_n3A_228 : vector<16xi32>
      %gather3A_230 = tpu.vector_load_idx %arg5[%sub3A_229] : memref<51200xi32, #tpu.memory_space<vmem>>[vector<16xi32>], vector<16xi32>,
      %and3A_231 = arith.constant -65536 : i32
      %and3A_232 = vector.broadcast %and3A_231 : i32 to vector<16xi32>
      %and3A_233 = arith.andi %gather3A_230, %and3A_232 : vector<16xi32>
      %shift_left3A_234 = arith.constant 16 : i32
      %shift_left3A_235 = vector.broadcast %shift_left3A_234 : i32 to vector<16xi32>
      %shift_left3A_236 = arith.shli %gather3A_230, %shift_left3A_235 : vector<16xi32>
      %select_n3A_237 = arith.select %ge3A_223, %and3A_233, %shift_left3A_236 : vector<16xi1>, vector<16xi32>
      %bitcast3A_238 = vector.bitcast %select_n3A_237 : vector<16xi32> to vector<16xf32>
      %add3A_239 = arith.constant 0 : i32
      %add3A_240 = arith.addi %mul3A_72, %add3A_239 : i32
      %swap3A = arith.index_cast %add3A_240 : i32 to index
      %swap3A_241 = tpu.vector_load %arg8[%swap3A] {strides = array<i32>} : memref<8192xf32, #tpu.memory_space<vmem>>, vector<16xf32>,
      tpu.vector_store %arg8[%swap3A], %bitcast3A {strides = array<i32>} : memref<8192xf32, #tpu.memory_space<vmem>>, vector<16xf32>,
      %add3A_242 = arith.constant 16 : i32
      %add3A_243 = arith.addi %mul3A_72, %add3A_242 : i32
      %swap3A_244 = arith.index_cast %add3A_243 : i32 to index
      %swap3A_245 = tpu.vector_load %arg8[%swap3A_244] {strides = array<i32>} : memref<8192xf32, #tpu.memory_space<vmem>>, vector<16xf32>,
      tpu.vector_store %arg8[%swap3A_244], %bitcast3A_130 {strides = array<i32>} : memref<8192xf32, #tpu.memory_space<vmem>>, vector<16xf32>,
      %add3A_246 = arith.constant 32 : i32
      %add3A_247 = arith.addi %mul3A_72, %add3A_246 : i32
      %swap3A_248 = arith.index_cast %add3A_247 : i32 to index
      %swap3A_249 = tpu.vector_load %arg8[%swap3A_248] {strides = array<i32>} : memref<8192xf32, #tpu.memory_space<vmem>>, vector<16xf32>,
      tpu.vector_store %arg8[%swap3A_248], %bitcast3A_148 {strides = array<i32>} : memref<8192xf32, #tpu.memory_space<vmem>>, vector<16xf32>,
      %add3A_250 = arith.constant 48 : i32
      %add3A_251 = arith.addi %mul3A_72, %add3A_250 : i32
      %swap3A_252 = arith.index_cast %add3A_251 : i32 to index
      %swap3A_253 = tpu.vector_load %arg8[%swap3A_252] {strides = array<i32>} : memref<8192xf32, #tpu.memory_space<vmem>>, vector<16xf32>,
      tpu.vector_store %arg8[%swap3A_252], %bitcast3A_166 {strides = array<i32>} : memref<8192xf32, #tpu.memory_space<vmem>>, vector<16xf32>,
      %add3A_254 = arith.constant 64 : i32
      %add3A_255 = arith.addi %mul3A_72, %add3A_254 : i32
      %swap3A_256 = arith.index_cast %add3A_255 : i32 to index
      %swap3A_257 = tpu.vector_load %arg8[%swap3A_256] {strides = array<i32>} : memref<8192xf32, #tpu.memory_space<vmem>>, vector<16xf32>,
      tpu.vector_store %arg8[%swap3A_256], %bitcast3A_184 {strides = array<i32>} : memref<8192xf32, #tpu.memory_space<vmem>>, vector<16xf32>,
      %add3A_258 = arith.constant 80 : i32
      %add3A_259 = arith.addi %mul3A_72, %add3A_258 : i32
      %swap3A_260 = arith.index_cast %add3A_259 : i32 to index
      %swap3A_261 = tpu.vector_load %arg8[%swap3A_260] {strides = array<i32>} : memref<8192xf32, #tpu.memory_space<vmem>>, vector<16xf32>,
      tpu.vector_store %arg8[%swap3A_260], %bitcast3A_202 {strides = array<i32>} : memref<8192xf32, #tpu.memory_space<vmem>>, vector<16xf32>,
      %add3A_262 = arith.constant 96 : i32
      %add3A_263 = arith.addi %mul3A_72, %add3A_262 : i32
      %swap3A_264 = arith.index_cast %add3A_263 : i32 to index
      %swap3A_265 = tpu.vector_load %arg8[%swap3A_264] {strides = array<i32>} : memref<8192xf32, #tpu.memory_space<vmem>>, vector<16xf32>,
      tpu.vector_store %arg8[%swap3A_264], %bitcast3A_220 {strides = array<i32>} : memref<8192xf32, #tpu.memory_space<vmem>>, vector<16xf32>,
      %add3A_266 = arith.constant 112 : i32
      %add3A_267 = arith.addi %mul3A_72, %add3A_266 : i32
      %swap3A_268 = arith.index_cast %add3A_267 : i32 to index
      %swap3A_269 = tpu.vector_load %arg8[%swap3A_268] {strides = array<i32>} : memref<8192xf32, #tpu.memory_space<vmem>>, vector<16xf32>,
      tpu.vector_store %arg8[%swap3A_268], %bitcast3A_238 {strides = array<i32>} : memref<8192xf32, #tpu.memory_space<vmem>>, vector<16xf32>,
    }
    %scan3A_47 = arith.constant 64 : i32
    %add3A_48 = arith.constant 16384 : i32
    %add3A_49 = arith.addi %mul3A_2, %add3A_48 : i32
    %dma_start3A_50 = tpu.memref_slice %arg4[%add3A_49] : memref<524288xf32, #tpu.memory_space<hbm>> -> memref<8192xf32, #tpu.memory_space<hbm>>
    %dma_start3A_51 = tpu.memref_slice %arg4[%add3A_49] : memref<524288xf32, #tpu.memory_space<hbm>> -> memref<8192xf32, #tpu.memory_space<hbm>>
    tpu.enqueue_dma source(%arg8 : memref<8192xf32, #tpu.memory_space<vmem>>) target(%dma_start3A_51 : memref<8192xf32, #tpu.memory_space<hbm>>) target_semaphore(%arg13 : memref<!tpu.dma_semaphore, #tpu.memory_space<semaphore_mem>>)
    %dma_wait3A_52 = tpu.memref_slice %arg3[%add3A_35] : memref<524288xi32, #tpu.memory_space<hbm>> -> memref<8192xi32, #tpu.memory_space<hbm>>
    %dma_wait3A_53 = tpu.memref_slice %arg3[%add3A_35] : memref<524288xi32, #tpu.memory_space<hbm>> -> memref<8192xi32, #tpu.memory_space<hbm>>
    tpu.wait_dma2 semaphore(%arg12 : memref<!tpu.dma_semaphore, #tpu.memory_space<semaphore_mem>>) src(%dma_wait3A_53 : memref<8192xi32, #tpu.memory_space<hbm>>) dst(%arg7 : memref<8192xi32, #tpu.memory_space<vmem>>)
    %dma_wait3A_54 = tpu.memref_slice %arg4[%add3A_31] : memref<524288xf32, #tpu.memory_space<hbm>> -> memref<8192xf32, #tpu.memory_space<hbm>>
    %dma_wait3A_55 = tpu.memref_slice %arg4[%add3A_31] : memref<524288xf32, #tpu.memory_space<hbm>> -> memref<8192xf32, #tpu.memory_space<hbm>>
    tpu.wait_dma2 semaphore(%arg14 : memref<!tpu.dma_semaphore, #tpu.memory_space<semaphore_mem>>) src(%arg9 : memref<8192xf32, #tpu.memory_space<vmem>>) dst(%dma_wait3A_55 : memref<8192xf32, #tpu.memory_space<hbm>>)
    %scan3A_56 = arith.constant 0 : i32
    %scan3A_57 = arith.constant 0 : i32
    %scan3A_58 = arith.constant 64 : i32
    %scan3A_59 = arith.addi %scan3A_57, %scan3A_58 : i32
    %scan3A_60 = arith.constant 1 : i32
    scf.for %scan3A_70 = %scan3A_57 to %scan3A_59 step %scan3A_60  : i32 {
      %mul3A_71 = arith.constant 128 : i32
      %mul3A_72 = arith.muli %scan3A_70, %mul3A_71 : i32
      %add3A_73 = arith.constant 0 : i32
      %add3A_74 = arith.addi %mul3A_72, %add3A_73 : i32
      %get3A = arith.index_cast %add3A_74 : i32 to index
      %get3A_75 = tpu.vector_load %arg7[%get3A] {strides = array<i32>} : memref<8192xi32, #tpu.memory_space<vmem>>, vector<16xi32>,
      %add3A_76 = arith.constant 16 : i32
      %add3A_77 = arith.addi %mul3A_72, %add3A_76 : i32
      %get3A_78 = arith.index_cast %add3A_77 : i32 to index
      %get3A_79 = tpu.vector_load %arg7[%get3A_78] {strides = array<i32>} : memref<8192xi32, #tpu.memory_space<vmem>>, vector<16xi32>,
      %add3A_80 = arith.constant 32 : i32
      %add3A_81 = arith.addi %mul3A_72, %add3A_80 : i32
      %get3A_82 = arith.index_cast %add3A_81 : i32 to index
      %get3A_83 = tpu.vector_load %arg7[%get3A_82] {strides = array<i32>} : memref<8192xi32, #tpu.memory_space<vmem>>, vector<16xi32>,
      %add3A_84 = arith.constant 48 : i32
      %add3A_85 = arith.addi %mul3A_72, %add3A_84 : i32
      %get3A_86 = arith.index_cast %add3A_85 : i32 to index
      %get3A_87 = tpu.vector_load %arg7[%get3A_86] {strides = array<i32>} : memref<8192xi32, #tpu.memory_space<vmem>>, vector<16xi32>,
      %add3A_88 = arith.constant 64 : i32
      %add3A_89 = arith.addi %mul3A_72, %add3A_88 : i32
      %get3A_90 = arith.index_cast %add3A_89 : i32 to index
      %get3A_91 = tpu.vector_load %arg7[%get3A_90] {strides = array<i32>} : memref<8192xi32, #tpu.memory_space<vmem>>, vector<16xi32>,
      %add3A_92 = arith.constant 80 : i32
      %add3A_93 = arith.addi %mul3A_72, %add3A_92 : i32
      %get3A_94 = arith.index_cast %add3A_93 : i32 to index
      %get3A_95 = tpu.vector_load %arg7[%get3A_94] {strides = array<i32>} : memref<8192xi32, #tpu.memory_space<vmem>>, vector<16xi32>,
      %add3A_96 = arith.constant 96 : i32
      %add3A_97 = arith.addi %mul3A_72, %add3A_96 : i32
      %get3A_98 = arith.index_cast %add3A_97 : i32 to index
      %get3A_99 = tpu.vector_load %arg7[%get3A_98] {strides = array<i32>} : memref<8192xi32, #tpu.memory_space<vmem>>, vector<16xi32>,
      %add3A_100 = arith.constant 112 : i32
      %add3A_101 = arith.addi %mul3A_72, %add3A_100 : i32
      %get3A_102 = arith.index_cast %add3A_101 : i32 to index
      %get3A_103 = tpu.vector_load %arg7[%get3A_102] {strides = array<i32>} : memref<8192xi32, #tpu.memory_space<vmem>>, vector<16xi32>,
      %ge3A = arith.constant 51200 : i32
      %ge3A_104 = vector.broadcast %ge3A : i32 to vector<16xi32>
      %ge3A_105 = arith.cmpi sge, %get3A_75, %ge3A_104 : vector<16xi32>
      %jit3A = arith.constant 51200 : i32
      %jit3A_106 = arith.constant 0 : i32
      %broadcast_in_dim3A = vector.broadcast %jit3A : i32 to vector<16xi32>
      %broadcast_in_dim3A_107 = vector.broadcast %jit3A_106 : i32 to vector<16xi32>
      %select_n3A = arith.select %ge3A_105, %broadcast_in_dim3A, %broadcast_in_dim3A_107 : vector<16xi1>, vector<16xi32>
      %sub3A = arith.subi %get3A_75, %select_n3A : vector<16xi32>
      %gather3A = tpu.vector_load_idx %arg5[%sub3A] : memref<51200xi32, #tpu.memory_space<vmem>>[vector<16xi32>], vector<16xi32>,
      %and3A = arith.constant -65536 : i32
      %and3A_108 = vector.broadcast %and3A : i32 to vector<16xi32>
      %and3A_109 = arith.andi %gather3A, %and3A_108 : vector<16xi32>
      %shift_left3A = arith.constant 16 : i32
      %shift_left3A_110 = vector.broadcast %shift_left3A : i32 to vector<16xi32>
      %shift_left3A_111 = arith.shli %gather3A, %shift_left3A_110 : vector<16xi32>
      %select_n3A_112 = arith.select %ge3A_105, %and3A_109, %shift_left3A_111 : vector<16xi1>, vector<16xi32>
      %bitcast3A = vector.bitcast %select_n3A_112 : vector<16xi32> to vector<16xf32>
      %ge3A_113 = arith.constant 51200 : i32
      %ge3A_114 = vector.broadcast %ge3A_113 : i32 to vector<16xi32>
      %ge3A_115 = arith.cmpi sge, %get3A_79, %ge3A_114 : vector<16xi32>
      %jit3A_116 = arith.constant 51200 : i32
      %jit3A_117 = arith.constant 0 : i32
      %broadcast_in_dim3A_118 = vector.broadcast %jit3A_116 : i32 to vector<16xi32>
      %broadcast_in_dim3A_119 = vector.broadcast %jit3A_117 : i32 to vector<16xi32>
      %select_n3A_120 = arith.select %ge3A_115, %broadcast_in_dim3A_118, %broadcast_in_dim3A_119 : vector<16xi1>, vector<16xi32>
      %sub3A_121 = arith.subi %get3A_79, %select_n3A_120 : vector<16xi32>
      %gather3A_122 = tpu.vector_load_idx %arg5[%sub3A_121] : memref<51200xi32, #tpu.memory_space<vmem>>[vector<16xi32>], vector<16xi32>,
      %and3A_123 = arith.constant -65536 : i32
      %and3A_124 = vector.broadcast %and3A_123 : i32 to vector<16xi32>
      %and3A_125 = arith.andi %gather3A_122, %and3A_124 : vector<16xi32>
      %shift_left3A_126 = arith.constant 16 : i32
      %shift_left3A_127 = vector.broadcast %shift_left3A_126 : i32 to vector<16xi32>
      %shift_left3A_128 = arith.shli %gather3A_122, %shift_left3A_127 : vector<16xi32>
      %select_n3A_129 = arith.select %ge3A_115, %and3A_125, %shift_left3A_128 : vector<16xi1>, vector<16xi32>
      %bitcast3A_130 = vector.bitcast %select_n3A_129 : vector<16xi32> to vector<16xf32>
      %ge3A_131 = arith.constant 51200 : i32
      %ge3A_132 = vector.broadcast %ge3A_131 : i32 to vector<16xi32>
      %ge3A_133 = arith.cmpi sge, %get3A_83, %ge3A_132 : vector<16xi32>
      %jit3A_134 = arith.constant 51200 : i32
      %jit3A_135 = arith.constant 0 : i32
      %broadcast_in_dim3A_136 = vector.broadcast %jit3A_134 : i32 to vector<16xi32>
      %broadcast_in_dim3A_137 = vector.broadcast %jit3A_135 : i32 to vector<16xi32>
      %select_n3A_138 = arith.select %ge3A_133, %broadcast_in_dim3A_136, %broadcast_in_dim3A_137 : vector<16xi1>, vector<16xi32>
      %sub3A_139 = arith.subi %get3A_83, %select_n3A_138 : vector<16xi32>
      %gather3A_140 = tpu.vector_load_idx %arg5[%sub3A_139] : memref<51200xi32, #tpu.memory_space<vmem>>[vector<16xi32>], vector<16xi32>,
      %and3A_141 = arith.constant -65536 : i32
      %and3A_142 = vector.broadcast %and3A_141 : i32 to vector<16xi32>
      %and3A_143 = arith.andi %gather3A_140, %and3A_142 : vector<16xi32>
      %shift_left3A_144 = arith.constant 16 : i32
      %shift_left3A_145 = vector.broadcast %shift_left3A_144 : i32 to vector<16xi32>
      %shift_left3A_146 = arith.shli %gather3A_140, %shift_left3A_145 : vector<16xi32>
      %select_n3A_147 = arith.select %ge3A_133, %and3A_143, %shift_left3A_146 : vector<16xi1>, vector<16xi32>
      %bitcast3A_148 = vector.bitcast %select_n3A_147 : vector<16xi32> to vector<16xf32>
      %ge3A_149 = arith.constant 51200 : i32
      %ge3A_150 = vector.broadcast %ge3A_149 : i32 to vector<16xi32>
      %ge3A_151 = arith.cmpi sge, %get3A_87, %ge3A_150 : vector<16xi32>
      %jit3A_152 = arith.constant 51200 : i32
      %jit3A_153 = arith.constant 0 : i32
      %broadcast_in_dim3A_154 = vector.broadcast %jit3A_152 : i32 to vector<16xi32>
      %broadcast_in_dim3A_155 = vector.broadcast %jit3A_153 : i32 to vector<16xi32>
      %select_n3A_156 = arith.select %ge3A_151, %broadcast_in_dim3A_154, %broadcast_in_dim3A_155 : vector<16xi1>, vector<16xi32>
      %sub3A_157 = arith.subi %get3A_87, %select_n3A_156 : vector<16xi32>
      %gather3A_158 = tpu.vector_load_idx %arg5[%sub3A_157] : memref<51200xi32, #tpu.memory_space<vmem>>[vector<16xi32>], vector<16xi32>,
      %and3A_159 = arith.constant -65536 : i32
      %and3A_160 = vector.broadcast %and3A_159 : i32 to vector<16xi32>
      %and3A_161 = arith.andi %gather3A_158, %and3A_160 : vector<16xi32>
      %shift_left3A_162 = arith.constant 16 : i32
      %shift_left3A_163 = vector.broadcast %shift_left3A_162 : i32 to vector<16xi32>
      %shift_left3A_164 = arith.shli %gather3A_158, %shift_left3A_163 : vector<16xi32>
      %select_n3A_165 = arith.select %ge3A_151, %and3A_161, %shift_left3A_164 : vector<16xi1>, vector<16xi32>
      %bitcast3A_166 = vector.bitcast %select_n3A_165 : vector<16xi32> to vector<16xf32>
      %ge3A_167 = arith.constant 51200 : i32
      %ge3A_168 = vector.broadcast %ge3A_167 : i32 to vector<16xi32>
      %ge3A_169 = arith.cmpi sge, %get3A_91, %ge3A_168 : vector<16xi32>
      %jit3A_170 = arith.constant 51200 : i32
      %jit3A_171 = arith.constant 0 : i32
      %broadcast_in_dim3A_172 = vector.broadcast %jit3A_170 : i32 to vector<16xi32>
      %broadcast_in_dim3A_173 = vector.broadcast %jit3A_171 : i32 to vector<16xi32>
      %select_n3A_174 = arith.select %ge3A_169, %broadcast_in_dim3A_172, %broadcast_in_dim3A_173 : vector<16xi1>, vector<16xi32>
      %sub3A_175 = arith.subi %get3A_91, %select_n3A_174 : vector<16xi32>
      %gather3A_176 = tpu.vector_load_idx %arg5[%sub3A_175] : memref<51200xi32, #tpu.memory_space<vmem>>[vector<16xi32>], vector<16xi32>,
      %and3A_177 = arith.constant -65536 : i32
      %and3A_178 = vector.broadcast %and3A_177 : i32 to vector<16xi32>
      %and3A_179 = arith.andi %gather3A_176, %and3A_178 : vector<16xi32>
      %shift_left3A_180 = arith.constant 16 : i32
      %shift_left3A_181 = vector.broadcast %shift_left3A_180 : i32 to vector<16xi32>
      %shift_left3A_182 = arith.shli %gather3A_176, %shift_left3A_181 : vector<16xi32>
      %select_n3A_183 = arith.select %ge3A_169, %and3A_179, %shift_left3A_182 : vector<16xi1>, vector<16xi32>
      %bitcast3A_184 = vector.bitcast %select_n3A_183 : vector<16xi32> to vector<16xf32>
      %ge3A_185 = arith.constant 51200 : i32
      %ge3A_186 = vector.broadcast %ge3A_185 : i32 to vector<16xi32>
      %ge3A_187 = arith.cmpi sge, %get3A_95, %ge3A_186 : vector<16xi32>
      %jit3A_188 = arith.constant 51200 : i32
      %jit3A_189 = arith.constant 0 : i32
      %broadcast_in_dim3A_190 = vector.broadcast %jit3A_188 : i32 to vector<16xi32>
      %broadcast_in_dim3A_191 = vector.broadcast %jit3A_189 : i32 to vector<16xi32>
      %select_n3A_192 = arith.select %ge3A_187, %broadcast_in_dim3A_190, %broadcast_in_dim3A_191 : vector<16xi1>, vector<16xi32>
      %sub3A_193 = arith.subi %get3A_95, %select_n3A_192 : vector<16xi32>
      %gather3A_194 = tpu.vector_load_idx %arg5[%sub3A_193] : memref<51200xi32, #tpu.memory_space<vmem>>[vector<16xi32>], vector<16xi32>,
      %and3A_195 = arith.constant -65536 : i32
      %and3A_196 = vector.broadcast %and3A_195 : i32 to vector<16xi32>
      %and3A_197 = arith.andi %gather3A_194, %and3A_196 : vector<16xi32>
      %shift_left3A_198 = arith.constant 16 : i32
      %shift_left3A_199 = vector.broadcast %shift_left3A_198 : i32 to vector<16xi32>
      %shift_left3A_200 = arith.shli %gather3A_194, %shift_left3A_199 : vector<16xi32>
      %select_n3A_201 = arith.select %ge3A_187, %and3A_197, %shift_left3A_200 : vector<16xi1>, vector<16xi32>
      %bitcast3A_202 = vector.bitcast %select_n3A_201 : vector<16xi32> to vector<16xf32>
      %ge3A_203 = arith.constant 51200 : i32
      %ge3A_204 = vector.broadcast %ge3A_203 : i32 to vector<16xi32>
      %ge3A_205 = arith.cmpi sge, %get3A_99, %ge3A_204 : vector<16xi32>
      %jit3A_206 = arith.constant 51200 : i32
      %jit3A_207 = arith.constant 0 : i32
      %broadcast_in_dim3A_208 = vector.broadcast %jit3A_206 : i32 to vector<16xi32>
      %broadcast_in_dim3A_209 = vector.broadcast %jit3A_207 : i32 to vector<16xi32>
      %select_n3A_210 = arith.select %ge3A_205, %broadcast_in_dim3A_208, %broadcast_in_dim3A_209 : vector<16xi1>, vector<16xi32>
      %sub3A_211 = arith.subi %get3A_99, %select_n3A_210 : vector<16xi32>
      %gather3A_212 = tpu.vector_load_idx %arg5[%sub3A_211] : memref<51200xi32, #tpu.memory_space<vmem>>[vector<16xi32>], vector<16xi32>,
      %and3A_213 = arith.constant -65536 : i32
      %and3A_214 = vector.broadcast %and3A_213 : i32 to vector<16xi32>
      %and3A_215 = arith.andi %gather3A_212, %and3A_214 : vector<16xi32>
      %shift_left3A_216 = arith.constant 16 : i32
      %shift_left3A_217 = vector.broadcast %shift_left3A_216 : i32 to vector<16xi32>
      %shift_left3A_218 = arith.shli %gather3A_212, %shift_left3A_217 : vector<16xi32>
      %select_n3A_219 = arith.select %ge3A_205, %and3A_215, %shift_left3A_218 : vector<16xi1>, vector<16xi32>
      %bitcast3A_220 = vector.bitcast %select_n3A_219 : vector<16xi32> to vector<16xf32>
      %ge3A_221 = arith.constant 51200 : i32
      %ge3A_222 = vector.broadcast %ge3A_221 : i32 to vector<16xi32>
      %ge3A_223 = arith.cmpi sge, %get3A_103, %ge3A_222 : vector<16xi32>
      %jit3A_224 = arith.constant 51200 : i32
      %jit3A_225 = arith.constant 0 : i32
      %broadcast_in_dim3A_226 = vector.broadcast %jit3A_224 : i32 to vector<16xi32>
      %broadcast_in_dim3A_227 = vector.broadcast %jit3A_225 : i32 to vector<16xi32>
      %select_n3A_228 = arith.select %ge3A_223, %broadcast_in_dim3A_226, %broadcast_in_dim3A_227 : vector<16xi1>, vector<16xi32>
      %sub3A_229 = arith.subi %get3A_103, %select_n3A_228 : vector<16xi32>
      %gather3A_230 = tpu.vector_load_idx %arg5[%sub3A_229] : memref<51200xi32, #tpu.memory_space<vmem>>[vector<16xi32>], vector<16xi32>,
      %and3A_231 = arith.constant -65536 : i32
      %and3A_232 = vector.broadcast %and3A_231 : i32 to vector<16xi32>
      %and3A_233 = arith.andi %gather3A_230, %and3A_232 : vector<16xi32>
      %shift_left3A_234 = arith.constant 16 : i32
      %shift_left3A_235 = vector.broadcast %shift_left3A_234 : i32 to vector<16xi32>
      %shift_left3A_236 = arith.shli %gather3A_230, %shift_left3A_235 : vector<16xi32>
      %select_n3A_237 = arith.select %ge3A_223, %and3A_233, %shift_left3A_236 : vector<16xi1>, vector<16xi32>
      %bitcast3A_238 = vector.bitcast %select_n3A_237 : vector<16xi32> to vector<16xf32>
      %add3A_239 = arith.constant 0 : i32
      %add3A_240 = arith.addi %mul3A_72, %add3A_239 : i32
      %swap3A = arith.index_cast %add3A_240 : i32 to index
      %swap3A_241 = tpu.vector_load %arg9[%swap3A] {strides = array<i32>} : memref<8192xf32, #tpu.memory_space<vmem>>, vector<16xf32>,
      tpu.vector_store %arg9[%swap3A], %bitcast3A {strides = array<i32>} : memref<8192xf32, #tpu.memory_space<vmem>>, vector<16xf32>,
      %add3A_242 = arith.constant 16 : i32
      %add3A_243 = arith.addi %mul3A_72, %add3A_242 : i32
      %swap3A_244 = arith.index_cast %add3A_243 : i32 to index
      %swap3A_245 = tpu.vector_load %arg9[%swap3A_244] {strides = array<i32>} : memref<8192xf32, #tpu.memory_space<vmem>>, vector<16xf32>,
      tpu.vector_store %arg9[%swap3A_244], %bitcast3A_130 {strides = array<i32>} : memref<8192xf32, #tpu.memory_space<vmem>>, vector<16xf32>,
      %add3A_246 = arith.constant 32 : i32
      %add3A_247 = arith.addi %mul3A_72, %add3A_246 : i32
      %swap3A_248 = arith.index_cast %add3A_247 : i32 to index
      %swap3A_249 = tpu.vector_load %arg9[%swap3A_248] {strides = array<i32>} : memref<8192xf32, #tpu.memory_space<vmem>>, vector<16xf32>,
      tpu.vector_store %arg9[%swap3A_248], %bitcast3A_148 {strides = array<i32>} : memref<8192xf32, #tpu.memory_space<vmem>>, vector<16xf32>,
      %add3A_250 = arith.constant 48 : i32
      %add3A_251 = arith.addi %mul3A_72, %add3A_250 : i32
      %swap3A_252 = arith.index_cast %add3A_251 : i32 to index
      %swap3A_253 = tpu.vector_load %arg9[%swap3A_252] {strides = array<i32>} : memref<8192xf32, #tpu.memory_space<vmem>>, vector<16xf32>,
      tpu.vector_store %arg9[%swap3A_252], %bitcast3A_166 {strides = array<i32>} : memref<8192xf32, #tpu.memory_space<vmem>>, vector<16xf32>,
      %add3A_254 = arith.constant 64 : i32
      %add3A_255 = arith.addi %mul3A_72, %add3A_254 : i32
      %swap3A_256 = arith.index_cast %add3A_255 : i32 to index
      %swap3A_257 = tpu.vector_load %arg9[%swap3A_256] {strides = array<i32>} : memref<8192xf32, #tpu.memory_space<vmem>>, vector<16xf32>,
      tpu.vector_store %arg9[%swap3A_256], %bitcast3A_184 {strides = array<i32>} : memref<8192xf32, #tpu.memory_space<vmem>>, vector<16xf32>,
      %add3A_258 = arith.constant 80 : i32
      %add3A_259 = arith.addi %mul3A_72, %add3A_258 : i32
      %swap3A_260 = arith.index_cast %add3A_259 : i32 to index
      %swap3A_261 = tpu.vector_load %arg9[%swap3A_260] {strides = array<i32>} : memref<8192xf32, #tpu.memory_space<vmem>>, vector<16xf32>,
      tpu.vector_store %arg9[%swap3A_260], %bitcast3A_202 {strides = array<i32>} : memref<8192xf32, #tpu.memory_space<vmem>>, vector<16xf32>,
      %add3A_262 = arith.constant 96 : i32
      %add3A_263 = arith.addi %mul3A_72, %add3A_262 : i32
      %swap3A_264 = arith.index_cast %add3A_263 : i32 to index
      %swap3A_265 = tpu.vector_load %arg9[%swap3A_264] {strides = array<i32>} : memref<8192xf32, #tpu.memory_space<vmem>>, vector<16xf32>,
      tpu.vector_store %arg9[%swap3A_264], %bitcast3A_220 {strides = array<i32>} : memref<8192xf32, #tpu.memory_space<vmem>>, vector<16xf32>,
      %add3A_266 = arith.constant 112 : i32
      %add3A_267 = arith.addi %mul3A_72, %add3A_266 : i32
      %swap3A_268 = arith.index_cast %add3A_267 : i32 to index
      %swap3A_269 = tpu.vector_load %arg9[%swap3A_268] {strides = array<i32>} : memref<8192xf32, #tpu.memory_space<vmem>>, vector<16xf32>,
      tpu.vector_store %arg9[%swap3A_268], %bitcast3A_238 {strides = array<i32>} : memref<8192xf32, #tpu.memory_space<vmem>>, vector<16xf32>,
    }
    %scan3A_61 = arith.constant 64 : i32
    %add3A_62 = arith.constant 24576 : i32
    %add3A_63 = arith.addi %mul3A_2, %add3A_62 : i32
    %dma_start3A_64 = tpu.memref_slice %arg4[%add3A_63] : memref<524288xf32, #tpu.memory_space<hbm>> -> memref<8192xf32, #tpu.memory_space<hbm>>
    %dma_start3A_65 = tpu.memref_slice %arg4[%add3A_63] : memref<524288xf32, #tpu.memory_space<hbm>> -> memref<8192xf32, #tpu.memory_space<hbm>>
    tpu.enqueue_dma source(%arg9 : memref<8192xf32, #tpu.memory_space<vmem>>) target(%dma_start3A_65 : memref<8192xf32, #tpu.memory_space<hbm>>) target_semaphore(%arg14 : memref<!tpu.dma_semaphore, #tpu.memory_space<semaphore_mem>>)
    %dma_wait3A_66 = tpu.memref_slice %arg4[%add3A_49] : memref<524288xf32, #tpu.memory_space<hbm>> -> memref<8192xf32, #tpu.memory_space<hbm>>
    %dma_wait3A_67 = tpu.memref_slice %arg4[%add3A_49] : memref<524288xf32, #tpu.memory_space<hbm>> -> memref<8192xf32, #tpu.memory_space<hbm>>
    tpu.wait_dma2 semaphore(%arg13 : memref<!tpu.dma_semaphore, #tpu.memory_space<semaphore_mem>>) src(%arg8 : memref<8192xf32, #tpu.memory_space<vmem>>) dst(%dma_wait3A_67 : memref<8192xf32, #tpu.memory_space<hbm>>)
    %dma_wait3A_68 = tpu.memref_slice %arg4[%add3A_63] : memref<524288xf32, #tpu.memory_space<hbm>> -> memref<8192xf32, #tpu.memory_space<hbm>>
    %dma_wait3A_69 = tpu.memref_slice %arg4[%add3A_63] : memref<524288xf32, #tpu.memory_space<hbm>> -> memref<8192xf32, #tpu.memory_space<hbm>>
    tpu.wait_dma2 semaphore(%arg14 : memref<!tpu.dma_semaphore, #tpu.memory_space<semaphore_mem>>) src(%arg9 : memref<8192xf32, #tpu.memory_space<vmem>>) dst(%dma_wait3A_69 : memref<8192xf32, #tpu.memory_space<hbm>>)
    return
  }
}

module attributes {stable_mosaic.version = 14 : i64} {
  func.func @_rowmean_body(%arg0: i32, %arg1: memref<10240x128xf32, #tpu.memory_space<vmem>>, %arg2: memref<10240x128xf32, #tpu.memory_space<vmem>>, %arg3: memref<10240xi32, #tpu.memory_space<vmem>>) attributes {dimension_semantics = [#tpu.dimension_semantics<arbitrary>], iteration_bounds = array<i64: 5>, scalar_prefetch = 0 : i64, scratch_operands = 0 : i64, tpu.core_type = #tpu.core_type<tc>, window_params = [{transform_indices = @transform_0, window_bounds = array<i64: 10240, 128>}, {transform_indices = @transform_1, window_bounds = array<i64: 10240, 128>}, {transform_indices = @transform_2, window_bounds = array<i64: 10240>}]} {
    %broadcast_in_dim3A = arith.constant 7.812500e-03 : f32
    %broadcast_in_dim3A_0 = vector.broadcast %broadcast_in_dim3A : f32 to vector<1x128xf32>
    %get3A = arith.constant 0 : index
    %get3A_1 = arith.constant 0 : index
    %get3A_2 = vector.load %arg1[%get3A, %get3A_1] : memref<10240x128xf32, #tpu.memory_space<vmem>>, vector<10240x128xf32>
    %dot_general3A = arith.constant dense<0.000000e+00> : vector<1x10240xf32>
    %dot_general3A_3 = tpu.matmul %broadcast_in_dim3A_0, %get3A_2, %dot_general3A {dimension_numbers = #tpu.dot_dimension_numbers<[1], [1], [0], [0], [0, 0, 1, 0], [], []>, transpose_lhs_hint = false} : vector<1x128xf32>, vector<10240x128xf32>, vector<1x10240xf32> -> vector<1x10240xf32>
    %get3A_4 = arith.constant 0 : index
    %get3A_5 = arith.constant 0 : index
    %get3A_6 = vector.load %arg2[%get3A_4, %get3A_5] : memref<10240x128xf32, #tpu.memory_space<vmem>>, vector<10240x128xf32>
    %dot_general3A_7 = arith.constant dense<0.000000e+00> : vector<1x10240xf32>
    %dot_general3A_8 = tpu.matmul %broadcast_in_dim3A_0, %get3A_6, %dot_general3A_7 {dimension_numbers = #tpu.dot_dimension_numbers<[1], [1], [0], [0], [0, 0, 1, 0], [], []>, transpose_lhs_hint = false} : vector<1x128xf32>, vector<10240x128xf32>, vector<1x10240xf32> -> vector<1x10240xf32>
    %bitcast_convert_type3A = tpu.bitcast %dot_general3A_3 : vector<1x10240xf32> -> vector<1x10240xi32>
    %add3A = arith.constant 32767 : i32
    %add3A_9 = vector.broadcast %add3A : i32 to vector<1x10240xi32>
    %add3A_10 = arith.addi %bitcast_convert_type3A, %add3A_9 : vector<1x10240xi32>
    %shift_right_arithmetic3A = arith.constant 16 : i32
    %shift_right_arithmetic3A_11 = vector.broadcast %shift_right_arithmetic3A : i32 to vector<1x10240xi32>
    %shift_right_arithmetic3A_12 = arith.shrsi %bitcast_convert_type3A, %shift_right_arithmetic3A_11 : vector<1x10240xi32>
    %and3A = arith.constant 1 : i32
    %and3A_13 = vector.broadcast %and3A : i32 to vector<1x10240xi32>
    %and3A_14 = arith.andi %shift_right_arithmetic3A_12, %and3A_13 : vector<1x10240xi32>
    %add3A_15 = arith.addi %add3A_10, %and3A_14 : vector<1x10240xi32>
    %shift_right_arithmetic3A_16 = arith.constant 16 : i32
    %shift_right_arithmetic3A_17 = vector.broadcast %shift_right_arithmetic3A_16 : i32 to vector<1x10240xi32>
    %shift_right_arithmetic3A_18 = arith.shrsi %add3A_15, %shift_right_arithmetic3A_17 : vector<1x10240xi32>
    %bitcast_convert_type3A_19 = tpu.bitcast %dot_general3A_8 : vector<1x10240xf32> -> vector<1x10240xi32>
    %add3A_20 = arith.constant 32767 : i32
    %add3A_21 = vector.broadcast %add3A_20 : i32 to vector<1x10240xi32>
    %add3A_22 = arith.addi %bitcast_convert_type3A_19, %add3A_21 : vector<1x10240xi32>
    %shift_right_arithmetic3A_23 = arith.constant 16 : i32
    %shift_right_arithmetic3A_24 = vector.broadcast %shift_right_arithmetic3A_23 : i32 to vector<1x10240xi32>
    %shift_right_arithmetic3A_25 = arith.shrsi %bitcast_convert_type3A_19, %shift_right_arithmetic3A_24 : vector<1x10240xi32>
    %and3A_26 = arith.constant 1 : i32
    %and3A_27 = vector.broadcast %and3A_26 : i32 to vector<1x10240xi32>
    %and3A_28 = arith.andi %shift_right_arithmetic3A_25, %and3A_27 : vector<1x10240xi32>
    %add3A_29 = arith.addi %add3A_22, %and3A_28 : vector<1x10240xi32>
    %shift_right_arithmetic3A_30 = arith.constant 16 : i32
    %shift_right_arithmetic3A_31 = vector.broadcast %shift_right_arithmetic3A_30 : i32 to vector<1x10240xi32>
    %shift_right_arithmetic3A_32 = arith.shrsi %add3A_29, %shift_right_arithmetic3A_31 : vector<1x10240xi32>
    %and3A_33 = arith.constant 65535 : i32
    %and3A_34 = vector.broadcast %and3A_33 : i32 to vector<1x10240xi32>
    %and3A_35 = arith.andi %shift_right_arithmetic3A_18, %and3A_34 : vector<1x10240xi32>
    %shift_left3A = arith.constant 16 : i32
    %shift_left3A_36 = vector.broadcast %shift_left3A : i32 to vector<1x10240xi32>
    %shift_left3A_37 = arith.shli %shift_right_arithmetic3A_32, %shift_left3A_36 : vector<1x10240xi32>
    %or3A = arith.ori %and3A_35, %shift_left3A_37 : vector<1x10240xi32>
    %reshape3A = vector.shape_cast %or3A : vector<1x10240xi32> to vector<10240xi32>
    %swap3A = arith.constant 0 : index
    %swap3A_38 = vector.load %arg3[%swap3A] : memref<10240xi32, #tpu.memory_space<vmem>>, vector<10240xi32>
    tpu.vector_store %arg3[%swap3A], %reshape3A {strides = array<i32>} : memref<10240xi32, #tpu.memory_space<vmem>>, vector<10240xi32>,
    return
  }
  func.func @transform_0(%arg0: i32) -> (i32, i32) {
    %c0_i32 = arith.constant 0 : i32
    %c0_i32_0 = arith.constant 0 : i32
    return %arg0, %c0_i32 : i32, i32
  }
  func.func @transform_1(%arg0: i32) -> (i32, i32) {
    %add3A = arith.constant 5 : i32
    %add3A_0 = arith.addi %arg0, %add3A : i32
    %c0_i32 = arith.constant 0 : i32
    %c0_i32_1 = arith.constant 0 : i32
    return %add3A_0, %c0_i32 : i32, i32
  }
  func.func @transform_2(%arg0: i32) -> i32 {
    %c0_i32 = arith.constant 0 : i32
    return %arg0 : i32
  }
}

module attributes {stable_mosaic.version = 14 : i64} {
  func.func @_mlp_body(%arg0: i32, %arg1: memref<1024x128xf32, #tpu.memory_space<vmem>>, %arg2: memref<128x1024xf32, #tpu.memory_space<vmem>>, %arg3: memref<1x1024xf32, #tpu.memory_space<vmem>>, %arg4: memref<1024x256xf32, #tpu.memory_space<vmem>>, %arg5: memref<1x256xf32, #tpu.memory_space<vmem>>, %arg6: memref<1024x256xf32, #tpu.memory_space<vmem>>, %arg7: memref<128x256xf32, #tpu.memory_space<vmem>>, %arg8: memref<1x256xf32, #tpu.memory_space<vmem>>) attributes {dimension_semantics = [#tpu.dimension_semantics<arbitrary>], iteration_bounds = array<i64: 4>, scalar_prefetch = 0 : i64, scratch_operands = 2 : i64, tpu.core_type = #tpu.core_type<tc>, window_params = [{transform_indices = @transform_0, window_bounds = array<i64: 1024, 128>}, {pipeline_mode = #tpu.pipeline_mode<synchronous>, transform_indices = @transform_1, window_bounds = array<i64: 128, 1024>}, {pipeline_mode = #tpu.pipeline_mode<synchronous>, transform_indices = @transform_2, window_bounds = array<i64: 1, 1024>}, {pipeline_mode = #tpu.pipeline_mode<synchronous>, transform_indices = @transform_3, window_bounds = array<i64: 1024, 256>}, {pipeline_mode = #tpu.pipeline_mode<synchronous>, transform_indices = @transform_4, window_bounds = array<i64: 1, 256>}, {transform_indices = @transform_5, window_bounds = array<i64: 1024, 256>}]} {
    %eq3A = arith.constant 0 : i32
    %eq3A_0 = arith.cmpi eq, %arg0, %eq3A : i32
    %convert_element_type3A = arith.extui %eq3A_0 : i1 to i32
    %cond3A = arith.constant 0 : i32
    %cond3A_1 = arith.cmpi ne, %convert_element_type3A, %cond3A : i32
    scf.if %cond3A_1 {
      %get3A_19 = arith.constant 0 : index
      %get3A_20 = arith.constant 0 : index
      %get3A_21 = vector.load %arg2[%get3A_19, %get3A_20] : memref<128x1024xf32, #tpu.memory_space<vmem>>, vector<128x1024xf32>
      %get3A_22 = arith.constant 0 : index
      %get3A_23 = arith.constant 0 : index
      %get3A_24 = vector.load %arg4[%get3A_22, %get3A_23] : memref<1024x256xf32, #tpu.memory_space<vmem>>, vector<1024x256xf32>
      %dot_general3A_25 = arith.constant dense<0.000000e+00> : vector<128x256xf32>
      %dot_general3A_26 = tpu.matmul %get3A_21, %get3A_24, %dot_general3A_25 {dimension_numbers = #tpu.dot_dimension_numbers<[1], [0], [0], [1], [0, 0, 1, 1], [], []>, transpose_lhs_hint = false} : vector<128x1024xf32>, vector<1024x256xf32>, vector<128x256xf32> -> vector<128x256xf32>
      %swap3A_27 = arith.constant 0 : index
      %swap3A_28 = arith.constant 0 : index
      %swap3A_29 = vector.load %arg7[%swap3A_27, %swap3A_28] : memref<128x256xf32, #tpu.memory_space<vmem>>, vector<128x256xf32>
      tpu.vector_store %arg7[%swap3A_27, %swap3A_28], %dot_general3A_26 {strides = array<i32>} : memref<128x256xf32, #tpu.memory_space<vmem>>, vector<128x256xf32>,
      %get3A_30 = arith.constant 0 : index
      %get3A_31 = arith.constant 0 : index
      %get3A_32 = vector.load %arg3[%get3A_30, %get3A_31] : memref<1x1024xf32, #tpu.memory_space<vmem>>, vector<1x1024xf32>
      %get3A_33 = arith.constant 0 : index
      %get3A_34 = arith.constant 0 : index
      %get3A_35 = vector.load %arg4[%get3A_33, %get3A_34] : memref<1024x256xf32, #tpu.memory_space<vmem>>, vector<1024x256xf32>
      %dot_general3A_36 = arith.constant dense<0.000000e+00> : vector<1x256xf32>
      %dot_general3A_37 = tpu.matmul %get3A_32, %get3A_35, %dot_general3A_36 {dimension_numbers = #tpu.dot_dimension_numbers<[1], [0], [0], [1], [0, 0, 1, 1], [], []>, transpose_lhs_hint = false} : vector<1x1024xf32>, vector<1024x256xf32>, vector<1x256xf32> -> vector<1x256xf32>
      %get3A_38 = arith.constant 0 : index
      %get3A_39 = arith.constant 0 : index
      %get3A_40 = vector.load %arg5[%get3A_38, %get3A_39] : memref<1x256xf32, #tpu.memory_space<vmem>>, vector<1x256xf32>
      %add3A_41 = arith.addf %dot_general3A_37, %get3A_40 : vector<1x256xf32>
      %swap3A_42 = arith.constant 0 : index
      %swap3A_43 = arith.constant 0 : index
      %swap3A_44 = vector.load %arg8[%swap3A_42, %swap3A_43] : memref<1x256xf32, #tpu.memory_space<vmem>>, vector<1x256xf32>
      tpu.vector_store %arg8[%swap3A_42, %swap3A_43], %add3A_41 {strides = array<i32>} : memref<1x256xf32, #tpu.memory_space<vmem>>, vector<1x256xf32>,
    } else {
    }
    %get3A = arith.constant 0 : index
    %get3A_2 = arith.constant 0 : index
    %get3A_3 = vector.load %arg1[%get3A, %get3A_2] : memref<1024x128xf32, #tpu.memory_space<vmem>>, vector<1024x128xf32>
    %get3A_4 = arith.constant 0 : index
    %get3A_5 = arith.constant 0 : index
    %get3A_6 = vector.load %arg7[%get3A_4, %get3A_5] : memref<128x256xf32, #tpu.memory_space<vmem>>, vector<128x256xf32>
    %dot_general3A = arith.constant dense<0.000000e+00> : vector<1024x256xf32>
    %dot_general3A_7 = tpu.matmul %get3A_3, %get3A_6, %dot_general3A {dimension_numbers = #tpu.dot_dimension_numbers<[1], [0], [0], [1], [0, 0, 1, 1], [], []>, transpose_lhs_hint = false} : vector<1024x128xf32>, vector<128x256xf32>, vector<1024x256xf32> -> vector<1024x256xf32>
    %get3A_8 = arith.constant 0 : index
    %get3A_9 = arith.constant 0 : index
    %get3A_10 = vector.load %arg8[%get3A_8, %get3A_9] : memref<1x256xf32, #tpu.memory_space<vmem>>, vector<1x256xf32>
    %add3A = vector.broadcast %get3A_10 : vector<1x256xf32> to vector<1024x256xf32>
    %add3A_11 = arith.addf %dot_general3A_7, %add3A : vector<1024x256xf32>
    %reduce_max3A = arith.constant dense<0xFF800000> : vector<1024xf32>
    %reduce_max3A_12 = vector.multi_reduction <maximumf>, %add3A_11, %reduce_max3A [1] : vector<1024x256xf32> to vector<1024xf32>
    %broadcast_in_dim3A = vector.shape_cast %reduce_max3A_12 : vector<1024xf32> to vector<1024x1xf32>
    %sub3A = vector.broadcast %broadcast_in_dim3A : vector<1024x1xf32> to vector<1024x256xf32>
    %sub3A_13 = arith.subf %add3A_11, %sub3A : vector<1024x256xf32>
    %exp3A = math.exp %sub3A_13 : vector<1024x256xf32>
    %reduce_sum3A = arith.constant dense<0.000000e+00> : vector<1024xf32>
    %reduce_sum3A_14 = vector.multi_reduction <add>, %exp3A, %reduce_sum3A [1] : vector<1024x256xf32> to vector<1024xf32>
    %broadcast_in_dim3A_15 = vector.shape_cast %reduce_sum3A_14 : vector<1024xf32> to vector<1024x1xf32>
    %div3A = vector.broadcast %broadcast_in_dim3A_15 : vector<1024x1xf32> to vector<1024x256xf32>
    %div3A_16 = arith.divf %exp3A, %div3A : vector<1024x256xf32>
    %swap3A = arith.constant 0 : index
    %swap3A_17 = arith.constant 0 : index
    %swap3A_18 = vector.load %arg6[%swap3A, %swap3A_17] : memref<1024x256xf32, #tpu.memory_space<vmem>>, vector<1024x256xf32>
    tpu.vector_store %arg6[%swap3A, %swap3A_17], %div3A_16 {strides = array<i32>} : memref<1024x256xf32, #tpu.memory_space<vmem>>, vector<1024x256xf32>,
    return
  }
  func.func @transform_0(%arg0: i32) -> (i32, i32) {
    %c0_i32 = arith.constant 0 : i32
    %c0_i32_0 = arith.constant 0 : i32
    return %arg0, %c0_i32 : i32, i32
  }
  func.func @transform_1(%arg0: i32) -> (i32, i32) {
    %c0_i32 = arith.constant 0 : i32
    %c0_i32_0 = arith.constant 0 : i32
    %c0_i32_1 = arith.constant 0 : i32
    return %c0_i32, %c0_i32_0 : i32, i32
  }
  func.func @transform_2(%arg0: i32) -> (i32, i32) {
    %c0_i32 = arith.constant 0 : i32
    %c0_i32_0 = arith.constant 0 : i32
    %c0_i32_1 = arith.constant 0 : i32
    return %c0_i32, %c0_i32_0 : i32, i32
  }
  func.func @transform_3(%arg0: i32) -> (i32, i32) {
    %c0_i32 = arith.constant 0 : i32
    %c0_i32_0 = arith.constant 0 : i32
    %c0_i32_1 = arith.constant 0 : i32
    return %c0_i32, %c0_i32_0 : i32, i32
  }
  func.func @transform_4(%arg0: i32) -> (i32, i32) {
    %c0_i32 = arith.constant 0 : i32
    %c0_i32_0 = arith.constant 0 : i32
    %c0_i32_1 = arith.constant 0 : i32
    return %c0_i32, %c0_i32_0 : i32, i32
  }
  func.func @transform_5(%arg0: i32) -> (i32, i32) {
    %c0_i32 = arith.constant 0 : i32
    %c0_i32_0 = arith.constant 0 : i32
    return %arg0, %c0_i32 : i32, i32
  }
}

</mosaic_0001>

<sc_bundles>
// kernel: kernel.5.cloned.1.call-start
scs
__scs_entry_jumppad:
0x0: {  	(pc) =	sbr.rel $0x88, $3  }
0x1: {  	(tag) =	ssettag $0x0;
	lr =	simm.s32 $0x1  }
0x2: {  	[smem:$0x3F9B] =	sst lr;
	_ =	strace $0xD0000000  }
0x3: {  	_ = 	snop  }
0x4: {  	_ = 	snop  }
0x5: {  	_ = 	snop  }
0x6: {  	_ = 	snop  }
0x7: {  	_ = 	snop  }
__scs_overlays_trampoline_lowered:
0x8: {  	[smem:$0x3FAA] =	sst s0  }
0x9: {  	[smem:$0x3FAB] =	sst s1  }
0xa: {  	[smem:$0x3FAC] =	sst s2  }
0xb: {  	[smem:$0x3FAD] =	sst s3  }
0xc: {  	[smem:$0x3FAE] =	sst s4  }
0xd: {  	[smem:$0x3FAF] =	sst s5  }
0xe: {  	[smem:$0x3FB0] =	sst s6  }
0xf: {  	[smem:$0x3FB1] =	sst s7  }
0x10: {  	[smem:$0x3FB2] =	sst s8  }
0x11: {  	[smem:$0x3FB3] =	sst s9;
	s0 =	simm.s32 @!p0 $0x0  }
0x12: {  	s1 =	sld [smem:$0x3F99];
	s0 =	simm.s32 @p0 $0x1  }
0x13: {  	[smem:$0x3FB4] =	sst s0;
	s0 =	simm.s32 @!p1 $0x0  }
0x14: {  	s2 =	sld [smem:$0x3F98];
	s0 =	simm.s32 @p1 $0x1  }
0x15: {  	[smem:$0x3FB5] =	sst s0;
	s0 =	simm.s32 @!p2 $0x0  }
0x16: {  	s3 =	sld [smem:$0x3FDB];
	s0 =	simm.s32 @p2 $0x1  }
0x17: {  	s4 =	simm.s32 $0x1BF5;
	[smem:$0x3FB7] =	sst s0  }
0x18: {  	s0 =	sld [smem:$0x3F9A];
	_ =	swait.ge [sflag:s4], $0x0  }
0x19: {  	s7 =	sld [smem:$0x3F9B]  }
0x1a: {  	s8 =	sadd.s32 $0xFFFFE003, lr  }
0x1b: {  	s9 =	sadd.s32 $0xFFFFFEF7, lr;
	s5 =	simm.s32 $0xFFFFFFFF;
	p2 =	slt.u32 s8, $0xFFFFF086  }
0x1c: {  	p1 =	slt.u32 s9, $0xF7A;
	s5 =	simm.s32 @!p2 $0x0  }
0x1d: {  	s5 =	simm.s32 @p1 $0x1;
	p0 =	seq.s32 s7, s2  }
0x1e: {  	s7 =	smul.u32 @!p0 $0xF7A, s2;
	p2 =	seq.s32 @!p0 s5, $0x0  }
0x1f: {  	s9 =	smul.u32 $0xF7A, s1;
	s8 =	simm.s32 @!p0 $0x1BF5;
	p2 =	por !p2, p0  }
0x20: {  	[sflag:s8] =	ssyncset.s32 @!p0 $0xFFFFF086;
	s6 =	sadd.s32 @!p0 s3, s7;
	s7 =	simm.s32 @!p0 $0x108  }
0x21: {  	s3 =	sadd.s32 s3, s9;
	s6 =	sadd.s32 @!p0 $0x88, s6;
	s7 =	simm.s32 @p2 $0x1082  }
0x22: {  	[simem:s7], [sflag:s8] =	dma.local @!p0 [hbm:s6], $0xF7A  }
0x23: {  	s9 =	sor.u32 $0xD0000000, s2;
	s6 =	simm.s32 $0x108;
	_ =	swait.ge @!p0 [sflag:s8], $0x0  }
0x24: {  	s3 =	sadd.s32 $0x88, s3;
	s6 =	simm.s32 @!p1 $0x1082;
	[sflag:s4] =	ssyncset.s32 $0xFFFFF086  }
0x25: {  	[simem:s6], [sflag:s4] =	dma.local [hbm:s3], $0xF7A  }
0x26: {  	[smem:$0x3F9B] =	sst s1;
	(tag) =	ssettag s2;
	_ =	strace s9  }
0x27: {  	s1 =	sld [smem:$0x3FAB]  }
0x28: {  	s2 =	sld [smem:$0x3FAC]  }
0x29: {  	s4 =	sld [smem:$0x3FAE]  }
0x2a: {  	p0 =	seq.s32 s5, $0x0;
	s5 =	sld [smem:$0x3FAF]  }
0x2b: {  	s6 =	sld [smem:$0x3FB0]  }
0x2c: {  	s7 =	sld [smem:$0x3FB1]  }
0x2d: {  	s3 =	simm.s32 $0x108;
	s8 =	sld [smem:$0x3FB2]  }
0x2e: {  	s3 =	simm.s32 @!p0 $0x1082;
	s9 =	sld [smem:$0x3FB3]  }
0x2f: {  	lr =	sadd.s32 s0, s3;
	s0 =	sld [smem:$0x3FAA]  }
0x30: {  	s3 =	sld [smem:$0x3FAD]  }
0x31: {  	[smem:$0x3FB6] =	sst s10  }
0x32: {  	s10 =	sld [smem:$0x3FB4];
	_ =	sdelay $0x3  }
0x33: {  	p0 =	seq.s32 s10, $0x1;
	s10 =	sld [smem:$0x3FB6];
	_ =	sdelay $0x3  }
0x34: {  	[smem:$0x3FB6] =	sst s10  }
0x35: {  	s10 =	sld [smem:$0x3FB5];
	_ =	sdelay $0x3  }
0x36: {  	p1 =	seq.s32 s10, $0x1;
	s10 =	sld [smem:$0x3FB6];
	_ =	sdelay $0x3  }
0x37: {  	[smem:$0x3FB6] =	sst s10  }
0x38: {  	s10 =	sld [smem:$0x3FB7]  }
0x39: {  	_ = 	snop;
	(pc) =	sbr.ind lr, $3  }
0x3a: {  	_ = 	snop  }
0x3b: {  	_ = 	snop  }
0x3c: {  	p2 =	seq.s32 s10, $0x1;
	s10 =	sld [smem:$0x3FB6]  }
0x3d: {  	_ =	shalt  }
0x3e: {  	_ =	shalt  }
0x3f: {  	_ =	shalt  }
0x40: {  	_ =	shalt  }
0x41: {  	_ =	shalt  }
0x42: {  	_ =	shalt  }
0x43: {  	_ =	shalt  }
0x44: {  	_ =	shalt  }
0x45: {  	_ =	shalt  }
0x46: {  	_ =	shalt  }
0x47: {  	_ =	shalt  }
0x48: {  	_ =	shalt  }
0x49: {  	_ =	shalt  }
0x4a: {  	_ =	shalt  }
0x4b: {  	_ =	shalt  }
0x4c: {  	_ =	shalt  }
0x4d: {  	_ =	shalt  }
0x4e: {  	_ =	shalt  }
0x4f: {  	_ =	shalt  }
0x50: {  	_ =	shalt  }
0x51: {  	_ =	shalt  }
0x52: {  	_ =	shalt  }
0x53: {  	_ =	shalt  }
0x54: {  	_ =	shalt  }
0x55: {  	_ =	shalt  }
0x56: {  	_ =	shalt  }
0x57: {  	_ =	shalt  }
0x58: {  	_ =	shalt  }
0x59: {  	_ =	shalt  }
0x5a: {  	_ =	shalt  }
0x5b: {  	_ =	shalt  }
0x5c: {  	_ =	shalt  }
0x5d: {  	_ =	shalt  }
0x5e: {  	_ =	shalt  }
0x5f: {  	_ =	shalt  }
0x60: {  	_ =	shalt  }
0x61: {  	_ =	shalt  }
0x62: {  	_ =	shalt  }
0x63: {  	_ =	shalt  }
0x64: {  	_ =	shalt  }
0x65: {  	_ =	shalt  }
0x66: {  	_ =	shalt  }
0x67: {  	_ =	shalt  }
0x68: {  	_ =	shalt  }
0x69: {  	_ =	shalt  }
0x6a: {  	_ =	shalt  }
0x6b: {  	_ =	shalt  }
0x6c: {  	_ =	shalt  }
0x6d: {  	_ =	shalt  }
0x6e: {  	_ =	shalt  }
0x6f: {  	_ =	shalt  }
0x70: {  	_ =	shalt  }
0x71: {  	_ =	shalt  }
0x72: {  	_ =	shalt  }
0x73: {  	_ =	shalt  }
0x74: {  	_ =	shalt  }
0x75: {  	_ =	shalt  }
0x76: {  	_ =	shalt  }
0x77: {  	_ =	shalt  }
0x78: {  	_ =	shalt  }
0x79: {  	_ =	shalt  }
0x7a: {  	_ =	shalt  }
0x7b: {  	_ =	shalt  }
0x7c: {  	_ =	shalt  }
0x7d: {  	_ =	shalt  }
0x7e: {  	_ =	shalt  }
0x7f: {  	_ =	shalt  }
0x80: {  	_ =	shalt  }
0x81: {  	_ =	shalt  }
0x82: {  	_ =	shalt  }
0x83: {  	_ =	shalt  }
0x84: {  	_ =	shalt  }
0x85: {  	_ =	shalt  }
0x86: {  	_ =	shalt  }
0x87: {  	_ =	shalt  }
.Lfunc_end0:
.L_simem_size_0:
called_computation_lowered:
.L_overlay_start_0:
0x88: {  	s2 =	sld [smem:$0x3FD9]  }
0x89: {  	s3 =	sld [smem:$0x3FFE];
	_ =	sdelay $0x1  }
0x8a: {  	s1 =	srdreg.scid  }
0x8b: {  	s0 =	sand.u32 $0x1, s1  }
0x8c: {  	s17 =	sshll.u32 s0, $0xA;
	s2 =	sadd.s32 s3, s2  }
0x8d: {  	s2 =	sadd.s32 s2, s17  }
0x8e: {  	[smem:$0x3FC2] =	sst s2  }
0x8f: {  	_ = 	snop  }
0x90: {  	s2 =	sld [smem:$0x3FC9]  }
0x91: {  	s18 =	sld [smem:$0x3FD0];
	(tm) =	ssettm $0x1  }
0x92: {  	s4 =	sld [smem:$0x3FFB];
	_ =	sdelay $0x3  }
0x93: {  	_ =	strace s4  }
0x94: {  	s4 =	sld [smem:$0x3FFC];
	_ =	sdelay $0x3  }
0x95: {  	_ =	strace s4  }
0x96: {  	s4 =	sld [smem:$0x3FFD];
	_ =	sdelay $0x3  }
0x97: {  	_ =	strace s4  }
0x98: {  	_ =	strace $0x8FFFFFFF  }
0x99: {  	s19 =	sld [smem:$0x3FDB];
	_ =	sdelay $0x1  }
0x9a: {  	s5 =	simm.s32 $_scs_section_size  }
0x9b: {  	s6 =	simm.s32 $_size__tile_overlayer_lowered;
	s7 =	simm.s32 $_tile_overlayer_lowered  }
0x9c: {  	s22 =	simm.s32 $0x1BFF;
	s21 =	sshll.u32 s7, $0x1;
	s4 =	sadd.s32 s5, s19  }
0x9d: {  	s8 =	simm.s32 $0x0;
	s20 =	sshll.u32 s6, $0x1;
	s6 =	sadd.s32 s21, s4  }
0x9e: {  	[timem:s8], [sflag:s22] =	dma.local [hbm:s6], s20  }
0x9f: {  	_ =	swait.ge [sflag:s22], s20  }
0xa0: {  	s5 =	ssub.s32 $0x0, s20;
	[sflag:s22] =	ssyncset.done $0x0  }
0xa1: {  	[sflag:s22] =	ssyncadd.s32 s5;
	_ =	sdelay $0x1  }
0xa2: {  	s23 =	simm.s32 $0x1B8B  }
0xa3: {  	_ =	swait.ge [sflag:s23], $0x1  }
0xa4: {  	[sflag:s23] =	ssyncset.done $0x0  }
0xa5: {  	s25 =	simm.s32 $0x1B8E;
	s24 =	sld [smem:$0x3FFE];
	[sflag:s23] =	ssyncadd.s32 $0xFFFFFFFF  }
0xa6: {  	s26 =	simm.s32 $execute0_lowered;
	[smem:$0x3FD2] =	sst s25  }
0xa7: {  	s6 =	sshll.u32 s26, $0x1;
	_ =	strace $0x80000046;
	[dreg:$0x1] =	wrdreg $0xFFFFFFFF  }
0xa8: {  	s28 =	simm.s32 $_size_execute0_lowered;
	s4 =	sadd.s32 s4, s6;
	[dreg:$0x0] =	wrdreg $0x0  }
0xa9: {  	s6 =	sshll.u32 s28, $0x1;
	[dreg:$0x2] =	wrdreg s4  }
0xaa: {  	[dreg:$0x3] =	wrdreg s6  }
0xab: {  	[dreg:$0x4] =	wrdreg $0xC0  }
0xac: {  	_ =	task [dreg:s8], $0x5FFFF  }
0xad: {  	[dreg:$0x1] =	wrdreg $0xFFFFFFFF  }
0xae: {  	[dreg:$0x0] =	wrdreg $0x60  }
0xaf: {  	[dreg:$0x2] =	wrdreg s24  }
0xb0: {  	[dreg:$0x3] =	wrdreg s2  }
0xb1: {  	[dreg:$0x4] =	wrdreg s18  }
0xb2: {  	[dreg:$0x5] =	wrdreg $0x9  }
0xb3: {  	_ =	task.clear_ibuf [dreg:s8], $0x6FFFF;
	_ =	strace $0x90000046  }
0xb4: {  	s29 =	simm.s32 $0x9;
	_ =	strace $0x80000048  }
0xb5: {  	_ =	swait.ge [sflag:s29], $0x1  }
0xb6: {  	[sflag:s29] =	ssyncadd.s32 $0xFFFFFFFF  }
0xb7: {  	_ =	strace $0x90000048  }
0xb8: {  	_ =	sfence  }
0xb9: {  	s30 =	sld [smem:$0x0];
	_ =	sdelay $0x2  }
0xba: {  	s31 =	sshll.u32 s1, $0xD;
	s1 =	sshrl.u32 s1, $0x2  }
0xbb: {  	s3 =	sand.u32 $0x4000, s31;
	s1 =	sadd.s32 s1, s30  }
0xbc: {  	s0 =	sor.u32 s3, s0;
	s1 =	sshll.u32 s1, $0x11  }
0xbd: {  	s0 =	sor.u32 s1, s0  }
0xbe: {  	s0 =	sadd.s32 $0x8F2B, s0  }
0xbf: {  	[sflag:s0] =	ssyncadd.remote.s32 $0x1  }
0xc0: {  	_ =	sfence.sel $0xFFFF  }
0xc1: {  	[dreg:$0x0] =	wrdreg $0xFFFFFFFF;
	(pc) =	sbr.abs _section_cstart, $3  }
0xc2: {  	[dreg:$0x1] =	wrdreg $0xFFFFFFFF  }
0xc3: {  	_ =	task.clear_ibuf [dreg:s8], $0x2FFFF;
	_ =	strace $0x9FFFFFFF  }
0xc4: {  	(tm) =	ssettm $0x7FFFFFFF  }
0xc5: {  	_ =	shalt  }
tec
execute0_lowered:
.L_overlay_start_1:
0x0: {  	(tag) =	ssettag $0x1  }
0x1: {  	s0 =	stileid.u32  }
0x2: {  	s1 =	srdreg.scid;
	s2 =	ssub.s32 $0x8, s0  }
0x3: {  	s4 =	sand.u32 $0x1, s1;
	p0 =	sgt.s32 s2, $0x0  }
0x4: {  	s1 =	ssub.s32 $0x2, s4;
	s2 =	simm.s32 @!p0 $0x0  }
0x5: {  	s3 =	sshrl.u32 s1, $0x1;
	s2 =	sadd.s32 $0xF, s2  }
0x6: {  	s1 =	ssub.s32 s1, s3;
	s2 =	sshrl.u32 s2, $0x4  }
0x7: {  	s2 =	smul.u32 s1, s2;
	_ =	sdelay $0x1  }
0x8: {  	p0 =	seq.s32 s2, $0x0  }
.Ltmp0:
0x9: {  	s5 =	rddreg [dreg:$0x0];
	(pc) =	sbr.rel @p0 .LBB2_11-.Ltmp0, $4  }
0xa: {  	s10 =	rddreg [dreg:$0x1]  }
0xb: {  	s12 =	rddreg [dreg:$0x2];
	s3 =	simm.s32 $0x0  }
0xc: {  	[smem:$0x7FF] =	sst s3  }
0xd: {  	s1 =	rddreg [dreg:$0x3];
	_ =	strace $0x80000047  }
0xe: {  	s6 =	sshll.u32 s0, $0xD  }
0xf: {  	s4 =	sshll.u32 s4, $0xC;
	s14 =	simm.s32 $0x1;
	s15 =	simm.s32 $0xE800  }
0x10: {  	s16 =	simm.s32 $0x2;
	s17 =	simm.s32 $0x10800;
	s18 =	simm.s32 $0x3  }
0x11: {  	s19 =	simm.s32 $0x12800;
	s20 =	simm.s32 $0x4;
	s21 =	simm.s32 $0x5  }
0x12: {  	s22 =	simm.s32 $0x0;
	s8 =	sor.u32 s4, s6;
	s4 =	sadd.s32 $0x1000, s5  }
0x13: {  	s9 =	sor.u32 $0x400, s8;
	s5 =	sadd.s32 s10, s8;
	s7 =	sadd.s32 s12, s8  }
0x14: {  	s11 =	sor.u32 $0x800, s8;
	s13 =	sor.u32 $0xC00, s8;
	s6 =	sadd.s32 s10, s9  }
0x15: {  	s8 =	sadd.s32 s10, s11;
	s9 =	sadd.s32 s12, s9;
	s10 =	sadd.s32 s10, s13  }
0x16: {  	v0 =	vimm.s32 $0x0;
	s11 =	sadd.s32 s12, s11;
	s12 =	sadd.s32 s12, s13;
	s13 =	simm.s32 $0xC800  }
.LBB2_2:
0x17: {  	s23 =	simm.s32 $0x0  }
0x18: {  	[tilespmem:s23], [sflag:$0x1] =	stream.linear.gather [hbm4b:s4+s23], $0xC800, $0x38;
	[tilespmem:$0x14800] =	vst v63  }
0x19: {  	_ = 	snop  }
0x1a: {  	[tilespmem:s13], [sflag:$0x2] =	stream.linear.gather [hbm4b:s5+s23], $0x2000, $0x38;
	[tilespmem:$0x14800] =	vst v63  }
0x1b: {  	_ =	swait.ge [sflag:s14], $0xC800  }
0x1c: {  	[sflag:s14] =	ssyncset.done $0x0  }
0x1d: {  	[sflag:s14] =	ssyncadd.s32 $0xFFFF3800  }
0x1e: {  	[tilespmem:s15], [sflag:$0x3] =	stream.linear.gather [hbm4b:s6+s23], $0x2000, $0x38;
	[tilespmem:$0x14800] =	vst v63  }
0x1f: {  	_ =	swait.ge [sflag:s16], $0x2000  }
0x20: {  	[sflag:s16] =	ssyncset.done $0x0  }
0x21: {  	s25 =	simm.s32 $0x0;
	[sflag:s16] =	ssyncadd.s32 $0xFFFFE000  }
0x22: {  	v6 =	vld [tilespmem:s25+$0xC810]  }
0x23: {  	v5 =	vld [tilespmem:s25+$0xC820]  }
0x24: {  	v2 =	vld [tilespmem:s25+$0xC800]  }
0x25: {  	v7 =	vld [tilespmem:s25+$0xC840]  }
0x26: {  	v8 =	vld [tilespmem:s25+$0xC830]  }
0x27: {  	v10 =	vld [tilespmem:s25+$0xC850]  }
0x28: {  	v4 =	vld [tilespmem:s25+$0xC860]  }
0x29: {  	s23 =	simm.s32 $0x80;
	v9 =	vld [tilespmem:s25+$0xC870]  }
0x2a: {  	v1 =	vld [tilespmem:s23+$0xC860];
	vm0 =	vgt.s32 v5, $0xC7FF  }
0x2b: {  	v3 =	vld [tilespmem:s23+$0xC810];
	vm1 =	vgt.s32 v7, $0xC7FF;
	vm9 =	vgt.s32 v2, $0xC7FF;
	vm11 =	vgt.s32 v8, $0xC7FF  }
0x2c: {  	v17 =	vld [tilespmem:s23+$0xC840];
	vm7 =	vgt.s32 v10, $0xC7FF;
	vm2 =	vgt.s32 v6, $0xC7FF;
	v13 =	vsel vm1, $0xFFFF3800, v0  }
0x2d: {  	v15 =	vld [tilespmem:s23+$0xC820];
	vm3 =	vgt.s32 v4, $0xC7FF;
	v12 =	vsel vm9, $0xFFFF3800, v0;
	v7 =	vadd.s32 v7, v13  }
0x2e: {  	v18 =	vld [tilespmem:s23+$0xC830];
	v11 =	vsel vm0, $0xFFFF3800, v0;
	v12 =	vadd.s32 v2, v12;
	v13 =	vsel vm11, $0xFFFF3800, v0  }
0x2f: {  	v2 =	vld [tilespmem:s23+$0xC870];
	v16 =	vadd.s32 v5, v11;
	v5 =	vsel vm7, $0xFFFF3800, v0;
	v8 =	vadd.s32 v8, v13  }
0x30: {  	vm6 =	vgt.s32 v9, $0xC7FF;
	v11 =	vld [tilespmem:s23+$0xC800];
	v10 =	vadd.s32 v10, v5;
	v13 =	vsel vm3, $0xFFFF3800, v0  }
0x31: {  	vm8 =	vgt.s32 v17, $0xC7FF;
	v5 =	vld [tilespmem:s23+$0xC850];
	v4 =	vadd.s32 v4, v13;
	v13 =	vsel vm6, $0xFFFF3800, v0  }
0x32: {  	v14 =	vsel vm2, $0xFFFF3800, v0;
	vm12 =	vmmov vm1;
	v9 =	vadd.s32 v9, v13;
	v20 =	vld.idx.msk [tilespmem:v7+s3+$0x0], $0xffff  }
0x33: {  	vm5 =	vmmov vm2;
	vm4 =	vmmov vm0;
	vm2 =	vgt.s32 v15, $0xC7FF;
	v12 =	vld.idx.msk [tilespmem:v12+s3+$0x0], $0xffff  }
0x34: {  	vm1 =	vgt.s32 v18, $0xC7FF;
	vm10 =	vmmov vm9;
	v19 =	vadd.s32 v6, v14;
	v14 =	vld.idx.msk [tilespmem:v8+s3+$0x0], $0xffff  }
0x35: {  	v21 =	vsel vm2, $0xFFFF3800, v0;
	vm0 =	vgt.s32 v11, $0xC7FF;
	v7 =	vsel vm8, $0xFFFF3800, v0;
	v13 =	vld.idx.msk [tilespmem:v10+s3+$0x0], $0xffff  }
0x36: {  	v6 =	vsel vm0, $0xFFFF3800, v0;
	v8 =	vadd.s32 v17, v7;
	v7 =	vsel vm1, $0xFFFF3800, v0;
	v10 =	vld.idx.msk [tilespmem:v4+s3+$0x0], $0xffff  }
0x37: {  	vm11 =	vmmov vm11;
	v6 =	vadd.s32 v11, v6;
	v7 =	vadd.s32 v18, v7;
	v11 =	vld.idx.msk [tilespmem:v9+s3+$0x0], $0xffff  }
0x38: {  	v4 =	vadd.s32 v15, v21;
	v9 =	vld.idx.msk [tilespmem:v16+s3+$0x0], $0xffff;
	v17 =	vand.u32 $0xFFFF0000, v20;
	v18 =	vshll.u32 v20, $0x10  }
0x39: {  	s26 =	simm.s32 $0x600;
	s24 =	simm.s32 $0x100;
	v15 =	vand.u32 $0xFFFF0000, v12;
	v16 =	vshll.u32 v12, $0x10;
	v12 =	vld.idx.msk [tilespmem:v19+s3+$0x0], $0xffff;
	v17 =	vsel vm12, v17, v18  }
.LBB2_3:
0x3a: {  	p0 =	sne.s32 s26, $0x7E00;
	v18 =	vld [tilespmem:s24+$0xC860];
	v19 =	vand.u32 $0xFFFF0000, v14;
	v14 =	vshll.u32 v14, $0x10;
	[tilespmem:s25+$0x10840] =	vst v17;
	vm9 =	vmmov vm8;
	s28 =	smov.u32 s26;
	s26 =	sadd.s32 $0x200, s26  }
0x3b: {  	v17 =	vld [tilespmem:s24+$0xC810];
	v14 =	vsel vm11, v19, v14;
	v19 =	vand.u32 $0xFFFF0000, v13;
	v13 =	vshll.u32 v13, $0x10  }
0x3c: {  	vm8 =	vgt.s32 v3, $0xC7FF;
	v20 =	vld [tilespmem:s24+$0xC820];
	v13 =	vsel vm7, v19, v13;
	v19 =	vand.u32 $0xFFFF0000, v10;
	[tilespmem:s25+$0x10830] =	vst v14  }
0x3d: {  	v21 =	vsel vm8, $0xFFFF3800, v0;
	v22 =	vand.u32 $0xFFFF0000, v11;
	v11 =	vshll.u32 v11, $0x10;
	v14 =	vld [tilespmem:s24+$0xC870];
	[tilespmem:s25+$0x10850] =	vst v13  }
0x3e: {  	v23 =	vsel vm10, v15, v16;
	v21 =	vadd.s32 v3, v21;
	v11 =	vsel vm6, v22, v11;
	v13 =	vld [tilespmem:s24+$0xC800]  }
0x3f: {  	v10 =	vshll.u32 v10, $0x10;
	v16 =	vand.u32 $0xFFFF0000, v12;
	v12 =	vshll.u32 v12, $0x10;
	v15 =	vld [tilespmem:s24+$0xC850];
	[tilespmem:s25+$0x10800] =	vst v23  }
0x40: {  	v10 =	vsel vm3, v19, v10;
	v12 =	vsel vm5, v16, v12;
	v16 =	vand.u32 $0xFFFF0000, v9;
	v22 =	vld [tilespmem:s24+$0xC840];
	v3 =	vmovc v17  }
0x41: {  	vm7 =	vgt.s32 v5, $0xC7FF;
	v9 =	vshll.u32 v9, $0x10;
	vm5 =	vmmov vm8;
	v17 =	vld [tilespmem:s24+$0xC830];
	[tilespmem:s25+$0x10860] =	vst v10  }
0x42: {  	vm3 =	vgt.s32 v1, $0xC7FF;
	v9 =	vsel vm4, v16, v9;
	v10 =	vsel vm7, $0xFFFF3800, v0;
	[tilespmem:s25+$0x10810] =	vst v12  }
0x43: {  	vm6 =	vgt.s32 v2, $0xC7FF;
	v16 =	vsel vm3, $0xFFFF3800, v0;
	v10 =	vadd.s32 v5, v10;
	[tilespmem:s25+$0x10820] =	vst v9  }
0x44: {  	vm4 =	vmmov vm2;
	v12 =	vsel vm6, $0xFFFF3800, v0;
	v9 =	vadd.s32 v1, v16;
	v1 =	vmovc v18;
	[tilespmem:s25+$0x10870] =	vst v11;
	v5 =	vmovc v15;
	s25 =	smov.u32 s23;
	s23 =	smov.u32 s24  }
0x45: {  	vm2 =	vgt.s32 v20, $0xC7FF;
	v11 =	vadd.s32 v2, v12;
	v2 =	vmovc v14;
	vm8 =	vgt.s32 v22, $0xC7FF;
	v15 =	vld.idx.msk [tilespmem:v8+s3+$0x0], $0xffff  }
0x46: {  	vm10 =	vmmov vm0;
	vm0 =	vgt.s32 v13, $0xC7FF;
	v12 =	vsel vm2, $0xFFFF3800, v0;
	v16 =	vld.idx.msk [tilespmem:v6+s3+$0x0], $0xffff  }
0x47: {  	vm11 =	vmmov vm1;
	v6 =	vsel vm0, $0xFFFF3800, v0;
	v8 =	vsel vm8, $0xFFFF3800, v0;
	v14 =	vld.idx.msk [tilespmem:v7+s3+$0x0], $0xffff  }
.Ltmp1:
0x48: {  	vm1 =	vgt.s32 v17, $0xC7FF;
	v6 =	vadd.s32 v13, v6;
	v8 =	vadd.s32 v22, v8;
	v13 =	vld.idx.msk [tilespmem:v10+s3+$0x0], $0xffff;
	(pc) =	sbr.rel @p0 .LBB2_3-.Ltmp1, $4  }
0x49: {  	v7 =	vsel vm1, $0xFFFF3800, v0;
	v10 =	vld.idx.msk [tilespmem:v9+s3+$0x0], $0xffff  }
0x4a: {  	v7 =	vadd.s32 v17, v7;
	v11 =	vld.idx.msk [tilespmem:v11+s3+$0x0], $0xffff  }
0x4b: {  	s24 =	sshra.s32 s28, $0x2;
	v17 =	vand.u32 $0xFFFF0000, v15;
	v18 =	vshll.u32 v15, $0x10;
	v9 =	vld.idx.msk [tilespmem:v4+s3+$0x0], $0xffff;
	v4 =	vadd.s32 v20, v12  }
0x4c: {  	v15 =	vand.u32 $0xFFFF0000, v16;
	v16 =	vshll.u32 v16, $0x10;
	v17 =	vsel vm9, v17, v18;
	v12 =	vld.idx.msk [tilespmem:v21+s3+$0x0], $0xffff  }
0x4d: {  	v18 =	vld [tilespmem:s24+$0xC860];
	[tilespmem:s25+$0x10840] =	vst v17;
	v17 =	vand.u32 $0xFFFF0000, v14;
	v14 =	vshll.u32 v14, $0x10  }
0x4e: {  	v20 =	vand.u32 $0xFFFF0000, v13;
	v13 =	vshll.u32 v13, $0x10;
	v19 =	vld [tilespmem:s24+$0xC810];
	v14 =	vsel vm11, v17, v14  }
0x4f: {  	v17 =	vld [tilespmem:s24+$0xC820];
	v13 =	vsel vm7, v20, v13;
	[tilespmem:s25+$0x10830] =	vst v14  }
0x50: {  	v15 =	vsel vm10, v15, v16;
	v59 =	vand.u32 $0xFFFF0000, v10;
	v14 =	vld [tilespmem:s24+$0xC870];
	[tilespmem:s25+$0x10850] =	vst v13  }
0x51: {  	v10 =	vshll.u32 v10, $0x10;
	v21 =	vand.u32 $0xFFFF0000, v11;
	v11 =	vshll.u32 v11, $0x10;
	v13 =	vld [tilespmem:s24+$0xC800]  }
0x52: {  	v10 =	vsel vm3, v59, v10;
	v11 =	vsel vm6, v21, v11;
	v60 =	vand.u32 $0xFFFF0000, v9;
	v16 =	vld [tilespmem:s24+$0xC850];
	[tilespmem:s25+$0x10800] =	vst v15  }
0x53: {  	v9 =	vshll.u32 v9, $0x10;
	v15 =	vand.u32 $0xFFFF0000, v12;
	v12 =	vshll.u32 v12, $0x10;
	v22 =	vld [tilespmem:s24+$0xC840]  }
0x54: {  	vm6 =	vgt.s32 v5, $0xC7FF;
	v9 =	vsel vm4, v60, v9;
	v12 =	vsel vm5, v15, v12;
	v15 =	vld [tilespmem:s24+$0xC830];
	[tilespmem:s25+$0x10860] =	vst v10  }
0x55: {  	vm4 =	vgt.s32 v2, $0xC7FF;
	v10 =	vsel vm6, $0xFFFF3800, v0;
	[tilespmem:s25+$0x10820] =	vst v9  }
0x56: {  	vm5 =	vgt.s32 v1, $0xC7FF;
	v9 =	vsel vm4, $0xFFFF3800, v0;
	[tilespmem:s25+$0x10870] =	vst v11;
	v5 =	vadd.s32 v5, v10  }
0x57: {  	vm3 =	vgt.s32 v3, $0xC7FF;
	[tilespmem:s25+$0x10810] =	vst v12;
	v10 =	vsel vm5, $0xFFFF3800, v0;
	v2 =	vadd.s32 v2, v9  }
0x58: {  	v1 =	vadd.s32 v1, v10;
	v10 =	vsel vm3, $0xFFFF3800, v0;
	v8 =	vld.idx.msk [tilespmem:v8+s3+$0x0], $0xffff  }
0x59: {  	vm9 =	vmmov vm8;
	vm10 =	vmmov vm0;
	v6 =	vld.idx.msk [tilespmem:v6+s3+$0x0], $0xffff;
	v3 =	vadd.s32 v3, v10  }
0x5a: {  	vm1 =	vmmov vm1;
	vm7 =	vmmov vm2;
	vm8 =	vmmov vm3;
	v7 =	vld.idx.msk [tilespmem:v7+s3+$0x0], $0xffff  }
0x5b: {  	vm2 =	vgt.s32 v13, $0xC7FF;
	vm3 =	vgt.s32 v22, $0xC7FF;
	vm0 =	vgt.s32 v15, $0xC7FF;
	v5 =	vld.idx.msk [tilespmem:v5+s3+$0x0], $0xffff  }
0x5c: {  	v9 =	vsel vm2, $0xFFFF3800, v0;
	v10 =	vsel vm3, $0xFFFF3800, v0;
	v11 =	vsel vm0, $0xFFFF3800, v0;
	v2 =	vld.idx.msk [tilespmem:v2+s3+$0x0], $0xffff  }
0x5d: {  	v9 =	vadd.s32 v13, v9;
	v1 =	vld.idx.msk [tilespmem:v1+s3+$0x0], $0xffff;
	v10 =	vadd.s32 v22, v10;
	v12 =	vand.u32 $0xFFFF0000, v8  }
0x5e: {  	v8 =	vshll.u32 v8, $0x10;
	v13 =	vand.u32 $0xFFFF0000, v6;
	v6 =	vshll.u32 v6, $0x10;
	v3 =	vld.idx.msk [tilespmem:v3+s3+$0x0], $0xffff  }
0x5f: {  	v8 =	vsel vm9, v12, v8;
	v12 =	vand.u32 $0xFFFF0000, v7;
	v7 =	vshll.u32 v7, $0x10  }
0x60: {  	v11 =	vadd.s32 v15, v11;
	v6 =	vsel vm10, v13, v6;
	v7 =	vsel vm1, v12, v7  }
0x61: {  	v4 =	vld.idx.msk [tilespmem:v4+s3+$0x0], $0xffff;
	[tilespmem:s23+$0x10830] =	vst v7;
	v15 =	vand.u32 $0xFFFF0000, v5;
	v5 =	vshll.u32 v5, $0x10;
	v7 =	vand.u32 $0xFFFF0000, v2  }
0x62: {  	[tilespmem:s23+$0x10840] =	vst v8;
	v2 =	vshll.u32 v2, $0x10;
	v5 =	vsel vm6, v15, v5;
	v8 =	vand.u32 $0xFFFF0000, v1  }
0x63: {  	v1 =	vshll.u32 v1, $0x10;
	v2 =	vsel vm4, v7, v2;
	[tilespmem:s23+$0x10850] =	vst v5;
	v5 =	vand.u32 $0xFFFF0000, v3  }
0x64: {  	[tilespmem:s23+$0x10800] =	vst v6;
	v3 =	vshll.u32 v3, $0x10;
	v1 =	vsel vm5, v8, v1;
	vm5 =	vgt.s32 v16, $0xC7FF  }
0x65: {  	vm4 =	vgt.s32 v18, $0xC7FF;
	v3 =	vsel vm8, v5, v3;
	[tilespmem:s23+$0x10860] =	vst v1;
	v1 =	vsel vm5, $0xFFFF3800, v0  }
0x66: {  	[tilespmem:s23+$0x10870] =	vst v2;
	v5 =	vand.u32 $0xFFFF0000, v4;
	v4 =	vshll.u32 v4, $0x10;
	v1 =	vadd.s32 v16, v1  }
0x67: {  	vm6 =	vgt.s32 v19, $0xC7FF;
	v4 =	vsel vm7, v5, v4;
	[tilespmem:s23+$0x10810] =	vst v3;
	v3 =	vsel vm4, $0xFFFF3800, v0  }
0x68: {  	v2 =	vsel vm6, $0xFFFF3800, v0;
	vm7 =	vgt.s32 v17, $0xC7FF;
	[tilespmem:s23+$0x10820] =	vst v4;
	v3 =	vadd.s32 v18, v3  }
0x69: {  	vm1 =	vgt.s32 v14, $0xC7FF;
	v2 =	vadd.s32 v19, v2;
	v6 =	vsel vm7, $0xFFFF3800, v0;
	v5 =	vld.idx.msk [tilespmem:v10+s3+$0x0], $0xffff  }
0x6a: {  	v4 =	vsel vm1, $0xFFFF3800, v0;
	v6 =	vadd.s32 v17, v6;
	v8 =	vld.idx.msk [tilespmem:v11+s3+$0x0], $0xffff  }
0x6b: {  	v4 =	vadd.s32 v14, v4;
	v1 =	vld.idx.msk [tilespmem:v1+s3+$0x0], $0xffff  }
0x6c: {  	vm2 =	vmmov vm2;
	v7 =	vld.idx.msk [tilespmem:v9+s3+$0x0], $0xffff  }
0x6d: {  	vm0 =	vmmov vm0;
	vm6 =	vmmov vm6;
	vm8 =	vmmov vm3;
	v3 =	vld.idx.msk [tilespmem:v3+s3+$0x0], $0xffff  }
0x6e: {  	vm3 =	vmmov vm7;
	v2 =	vld.idx.msk [tilespmem:v2+s3+$0x0], $0xffff;
	v9 =	vand.u32 $0xFFFF0000, v5;
	v5 =	vshll.u32 v5, $0x10  }
0x6f: {  	v6 =	vld.idx.msk [tilespmem:v6+s3+$0x0], $0xffff;
	v5 =	vsel vm8, v9, v5;
	v9 =	vand.u32 $0xFFFF0000, v8;
	v8 =	vshll.u32 v8, $0x10  }
0x70: {  	v4 =	vld.idx.msk [tilespmem:v4+s3+$0x0], $0xffff;
	[tilespmem:s24+$0x10840] =	vst v5;
	v5 =	vsel vm0, v9, v8;
	v8 =	vand.u32 $0xFFFF0000, v1;
	v1 =	vshll.u32 v1, $0x10  }
0x71: {  	v9 =	vand.u32 $0xFFFF0000, v7;
	v7 =	vshll.u32 v7, $0x10;
	[tilespmem:s24+$0x10830] =	vst v5;
	v1 =	vsel vm5, v8, v1  }
0x72: {  	v5 =	vand.u32 $0xFFFF0000, v3;
	v3 =	vshll.u32 v3, $0x10;
	[tilespmem:s24+$0x10850] =	vst v1;
	v1 =	vsel vm2, v9, v7  }
0x73: {  	v7 =	vand.u32 $0xFFFF0000, v2;
	v2 =	vshll.u32 v2, $0x10;
	[tilespmem:s24+$0x10800] =	vst v1;
	v1 =	vsel vm4, v5, v3  }
0x74: {  	v2 =	vsel vm6, v7, v2;
	v3 =	vand.u32 $0xFFFF0000, v6;
	v5 =	vshll.u32 v6, $0x10;
	[tilespmem:s24+$0x10860] =	vst v1  }
0x75: {  	v1 =	vand.u32 $0xFFFF0000, v4;
	v4 =	vshll.u32 v4, $0x10;
	v3 =	vsel vm3, v3, v5;
	[tilespmem:s24+$0x10810] =	vst v2  }
0x76: {  	v1 =	vsel vm1, v1, v4;
	[tilespmem:s24+$0x10820] =	vst v3  }
0x77: {  	s31 =	simm.s32 $0x0;
	[tilespmem:s24+$0x10870] =	vst v1  }
0x78: {  	[hbm4b:s7+s31] =	stream.linear.scatter [tilespmem:s17], [sflag:$0x4], $0x2000, $0x38;
	[tilespmem:$0x14800] =	vst v63  }
0x79: {  	_ = 	snop  }
0x7a: {  	[tilespmem:s13], [sflag:$0x2] =	stream.linear.gather [hbm4b:s8+s31], $0x2000, $0x38;
	[tilespmem:$0x14800] =	vst v63  }
0x7b: {  	_ =	swait.ge [sflag:s18], $0x2000  }
0x7c: {  	[sflag:s18] =	ssyncset.done $0x0  }
0x7d: {  	s25 =	simm.s32 $0x0;
	[sflag:s18] =	ssyncadd.s32 $0xFFFFE000  }
0x7e: {  	v6 =	vld [tilespmem:s25+$0xE810]  }
0x7f: {  	v5 =	vld [tilespmem:s25+$0xE820]  }
0x80: {  	v2 =	vld [tilespmem:s25+$0xE800]  }
0x81: {  	v7 =	vld [tilespmem:s25+$0xE840]  }
0x82: {  	v8 =	vld [tilespmem:s25+$0xE830]  }
0x83: {  	v10 =	vld [tilespmem:s25+$0xE850]  }
0x84: {  	v4 =	vld [tilespmem:s25+$0xE860]  }
0x85: {  	s23 =	simm.s32 $0x80;
	v9 =	vld [tilespmem:s25+$0xE870]  }
0x86: {  	v1 =	vld [tilespmem:s23+$0xE860];
	vm0 =	vgt.s32 v5, $0xC7FF  }
0x87: {  	v3 =	vld [tilespmem:s23+$0xE810];
	vm2 =	vgt.s32 v7, $0xC7FF;
	vm1 =	vgt.s32 v2, $0xC7FF;
	vm9 =	vgt.s32 v8, $0xC7FF  }
0x88: {  	v17 =	vld [tilespmem:s23+$0xE840];
	vm7 =	vgt.s32 v10, $0xC7FF;
	vm4 =	vgt.s32 v6, $0xC7FF;
	v13 =	vsel vm2, $0xFFFF3800, v0  }
0x89: {  	v15 =	vld [tilespmem:s23+$0xE820];
	vm3 =	vgt.s32 v4, $0xC7FF;
	v12 =	vsel vm1, $0xFFFF3800, v0;
	v7 =	vadd.s32 v7, v13  }
0x8a: {  	v18 =	vld [tilespmem:s23+$0xE830];
	v11 =	vsel vm0, $0xFFFF3800, v0;
	v12 =	vadd.s32 v2, v12;
	v13 =	vsel vm9, $0xFFFF3800, v0  }
0x8b: {  	v2 =	vld [tilespmem:s23+$0xE870];
	v16 =	vadd.s32 v5, v11;
	v5 =	vsel vm7, $0xFFFF3800, v0;
	v8 =	vadd.s32 v8, v13  }
0x8c: {  	vm6 =	vgt.s32 v9, $0xC7FF;
	v11 =	vld [tilespmem:s23+$0xE800];
	v10 =	vadd.s32 v10, v5;
	v13 =	vsel vm3, $0xFFFF3800, v0  }
0x8d: {  	vm8 =	vgt.s32 v17, $0xC7FF;
	v5 =	vld [tilespmem:s23+$0xE850];
	v4 =	vadd.s32 v4, v13;
	v13 =	vsel vm6, $0xFFFF3800, v0  }
0x8e: {  	v14 =	vsel vm4, $0xFFFF3800, v0;
	vm12 =	vmmov vm2;
	v9 =	vadd.s32 v9, v13;
	v61 =	vld.idx.msk [tilespmem:v7+s3+$0x0], $0xffff  }
0x8f: {  	vm5 =	vmmov vm4;
	vm4 =	vmmov vm0;
	vm2 =	vgt.s32 v15, $0xC7FF;
	v12 =	vld.idx.msk [tilespmem:v12+s3+$0x0], $0xffff  }
0x90: {  	vm10 =	vmmov vm1;
	vm1 =	vgt.s32 v18, $0xC7FF;
	v19 =	vadd.s32 v6, v14;
	v14 =	vld.idx.msk [tilespmem:v8+s3+$0x0], $0xffff  }
0x91: {  	vm11 =	vmmov vm9;
	v62 =	vsel vm2, $0xFFFF3800, v0;
	vm0 =	vgt.s32 v11, $0xC7FF;
	v13 =	vld.idx.msk [tilespmem:v10+s3+$0x0], $0xffff  }
0x92: {  	v63 =	vsel vm1, $0xFFFF3800, v0;
	v7 =	vsel vm8, $0xFFFF3800, v0;
	v6 =	vsel vm0, $0xFFFF3800, v0;
	v10 =	vld.idx.msk [tilespmem:v4+s3+$0x0], $0xffff  }
0x93: {  	v8 =	vadd.s32 v17, v7;
	v7 =	vadd.s32 v18, v63;
	v6 =	vadd.s32 v11, v6;
	v11 =	vld.idx.msk [tilespmem:v9+s3+$0x0], $0xffff  }
0x94: {  	v4 =	vadd.s32 v15, v62;
	v9 =	vld.idx.msk [tilespmem:v16+s3+$0x0], $0xffff;
	v17 =	vand.u32 $0xFFFF0000, v61;
	v18 =	vshll.u32 v61, $0x10  }
0x95: {  	s26 =	simm.s32 $0x600;
	s24 =	simm.s32 $0x100;
	v15 =	vand.u32 $0xFFFF0000, v12;
	v16 =	vshll.u32 v12, $0x10;
	v12 =	vld.idx.msk [tilespmem:v19+s3+$0x0], $0xffff;
	v17 =	vsel vm12, v17, v18  }
.LBB2_5:
0x96: {  	p0 =	sne.s32 s26, $0x7E00;
	v18 =	vld [tilespmem:s24+$0xE860];
	v19 =	vand.u32 $0xFFFF0000, v14;
	v14 =	vshll.u32 v14, $0x10;
	[tilespmem:s25+$0x12840] =	vst v17;
	vm9 =	vmmov vm8;
	s28 =	smov.u32 s26;
	s26 =	sadd.s32 $0x200, s26  }
0x97: {  	v17 =	vld [tilespmem:s24+$0xE810];
	v14 =	vsel vm11, v19, v14;
	v19 =	vand.u32 $0xFFFF0000, v13;
	v13 =	vshll.u32 v13, $0x10  }
0x98: {  	vm8 =	vgt.s32 v3, $0xC7FF;
	v20 =	vld [tilespmem:s24+$0xE820];
	v13 =	vsel vm7, v19, v13;
	v19 =	vand.u32 $0xFFFF0000, v10;
	[tilespmem:s25+$0x12830] =	vst v14  }
0x99: {  	v21 =	vsel vm8, $0xFFFF3800, v0;
	v22 =	vand.u32 $0xFFFF0000, v11;
	v11 =	vshll.u32 v11, $0x10;
	v14 =	vld [tilespmem:s24+$0xE870];
	[tilespmem:s25+$0x12850] =	vst v13  }
0x9a: {  	v23 =	vsel vm10, v15, v16;
	v21 =	vadd.s32 v3, v21;
	v11 =	vsel vm6, v22, v11;
	v13 =	vld [tilespmem:s24+$0xE800]  }
0x9b: {  	v10 =	vshll.u32 v10, $0x10;
	v16 =	vand.u32 $0xFFFF0000, v12;
	v12 =	vshll.u32 v12, $0x10;
	v15 =	vld [tilespmem:s24+$0xE850];
	[tilespmem:s25+$0x12800] =	vst v23  }
0x9c: {  	v10 =	vsel vm3, v19, v10;
	v12 =	vsel vm5, v16, v12;
	v16 =	vand.u32 $0xFFFF0000, v9;
	v22 =	vld [tilespmem:s24+$0xE840];
	v3 =	vmovc v17  }
0x9d: {  	vm7 =	vgt.s32 v5, $0xC7FF;
	v9 =	vshll.u32 v9, $0x10;
	vm5 =	vmmov vm8;
	v17 =	vld [tilespmem:s24+$0xE830];
	[tilespmem:s25+$0x12860] =	vst v10  }
0x9e: {  	vm3 =	vgt.s32 v1, $0xC7FF;
	v9 =	vsel vm4, v16, v9;
	v10 =	vsel vm7, $0xFFFF3800, v0;
	[tilespmem:s25+$0x12810] =	vst v12  }
0x9f: {  	vm6 =	vgt.s32 v2, $0xC7FF;
	v16 =	vsel vm3, $0xFFFF3800, v0;
	v10 =	vadd.s32 v5, v10;
	[tilespmem:s25+$0x12820] =	vst v9  }
0xa0: {  	vm4 =	vmmov vm2;
	v12 =	vsel vm6, $0xFFFF3800, v0;
	v9 =	vadd.s32 v1, v16;
	v1 =	vmovc v18;
	[tilespmem:s25+$0x12870] =	vst v11;
	v5 =	vmovc v15;
	s25 =	smov.u32 s23;
	s23 =	smov.u32 s24  }
0xa1: {  	vm2 =	vgt.s32 v20, $0xC7FF;
	v11 =	vadd.s32 v2, v12;
	v2 =	vmovc v14;
	vm8 =	vgt.s32 v22, $0xC7FF;
	v15 =	vld.idx.msk [tilespmem:v8+s3+$0x0], $0xffff  }
0xa2: {  	vm10 =	vmmov vm0;
	vm0 =	vgt.s32 v13, $0xC7FF;
	v12 =	vsel vm2, $0xFFFF3800, v0;
	v16 =	vld.idx.msk [tilespmem:v6+s3+$0x0], $0xffff  }
0xa3: {  	vm11 =	vmmov vm1;
	v6 =	vsel vm0, $0xFFFF3800, v0;
	v8 =	vsel vm8, $0xFFFF3800, v0;
	v14 =	vld.idx.msk [tilespmem:v7+s3+$0x0], $0xffff  }
.Ltmp2:
0xa4: {  	vm1 =	vgt.s32 v17, $0xC7FF;
	v6 =	vadd.s32 v13, v6;
	v8 =	vadd.s32 v22, v8;
	v13 =	vld.idx.msk [tilespmem:v10+s3+$0x0], $0xffff;
	(pc) =	sbr.rel @p0 .LBB2_5-.Ltmp2, $4  }
0xa5: {  	v7 =	vsel vm1, $0xFFFF3800, v0;
	v10 =	vld.idx.msk [tilespmem:v9+s3+$0x0], $0xffff  }
0xa6: {  	v7 =	vadd.s32 v17, v7;
	v11 =	vld.idx.msk [tilespmem:v11+s3+$0x0], $0xffff  }
0xa7: {  	s24 =	sshra.s32 s28, $0x2;
	v17 =	vand.u32 $0xFFFF0000, v15;
	v18 =	vshll.u32 v15, $0x10;
	v9 =	vld.idx.msk [tilespmem:v4+s3+$0x0], $0xffff;
	v4 =	vadd.s32 v20, v12  }
0xa8: {  	v15 =	vand.u32 $0xFFFF0000, v16;
	v16 =	vshll.u32 v16, $0x10;
	v17 =	vsel vm9, v17, v18;
	v12 =	vld.idx.msk [tilespmem:v21+s3+$0x0], $0xffff  }
0xa9: {  	v18 =	vld [tilespmem:s24+$0xE860];
	[tilespmem:s25+$0x12840] =	vst v17;
	v17 =	vand.u32 $0xFFFF0000, v14;
	v14 =	vshll.u32 v14, $0x10  }
0xaa: {  	v20 =	vand.u32 $0xFFFF0000, v13;
	v13 =	vshll.u32 v13, $0x10;
	v19 =	vld [tilespmem:s24+$0xE810];
	v14 =	vsel vm11, v17, v14  }
0xab: {  	v17 =	vld [tilespmem:s24+$0xE820];
	v13 =	vsel vm7, v20, v13;
	[tilespmem:s25+$0x12830] =	vst v14  }
0xac: {  	v15 =	vsel vm10, v15, v16;
	v59 =	vand.u32 $0xFFFF0000, v10;
	v14 =	vld [tilespmem:s24+$0xE870];
	[tilespmem:s25+$0x12850] =	vst v13  }
0xad: {  	v10 =	vshll.u32 v10, $0x10;
	v21 =	vand.u32 $0xFFFF0000, v11;
	v11 =	vshll.u32 v11, $0x10;
	v13 =	vld [tilespmem:s24+$0xE800]  }
0xae: {  	v10 =	vsel vm3, v59, v10;
	v11 =	vsel vm6, v21, v11;
	v60 =	vand.u32 $0xFFFF0000, v9;
	v16 =	vld [tilespmem:s24+$0xE850];
	[tilespmem:s25+$0x12800] =	vst v15  }
0xaf: {  	v9 =	vshll.u32 v9, $0x10;
	v15 =	vand.u32 $0xFFFF0000, v12;
	v12 =	vshll.u32 v12, $0x10;
	v22 =	vld [tilespmem:s24+$0xE840]  }
0xb0: {  	vm6 =	vgt.s32 v5, $0xC7FF;
	v9 =	vsel vm4, v60, v9;
	v12 =	vsel vm5, v15, v12;
	v15 =	vld [tilespmem:s24+$0xE830];
	[tilespmem:s25+$0x12860] =	vst v10  }
0xb1: {  	vm4 =	vgt.s32 v2, $0xC7FF;
	v10 =	vsel vm6, $0xFFFF3800, v0;
	[tilespmem:s25+$0x12820] =	vst v9  }
0xb2: {  	vm5 =	vgt.s32 v1, $0xC7FF;
	v9 =	vsel vm4, $0xFFFF3800, v0;
	[tilespmem:s25+$0x12870] =	vst v11;
	v5 =	vadd.s32 v5, v10  }
0xb3: {  	vm3 =	vgt.s32 v3, $0xC7FF;
	[tilespmem:s25+$0x12810] =	vst v12;
	v10 =	vsel vm5, $0xFFFF3800, v0;
	v2 =	vadd.s32 v2, v9  }
0xb4: {  	v1 =	vadd.s32 v1, v10;
	v10 =	vsel vm3, $0xFFFF3800, v0;
	v8 =	vld.idx.msk [tilespmem:v8+s3+$0x0], $0xffff  }
0xb5: {  	vm9 =	vmmov vm8;
	vm10 =	vmmov vm0;
	v6 =	vld.idx.msk [tilespmem:v6+s3+$0x0], $0xffff;
	v3 =	vadd.s32 v3, v10  }
0xb6: {  	vm1 =	vmmov vm1;
	vm7 =	vmmov vm2;
	vm8 =	vmmov vm3;
	v7 =	vld.idx.msk [tilespmem:v7+s3+$0x0], $0xffff  }
0xb7: {  	vm2 =	vgt.s32 v13, $0xC7FF;
	vm3 =	vgt.s32 v22, $0xC7FF;
	vm0 =	vgt.s32 v15, $0xC7FF;
	v5 =	vld.idx.msk [tilespmem:v5+s3+$0x0], $0xffff  }
0xb8: {  	v9 =	vsel vm2, $0xFFFF3800, v0;
	v10 =	vsel vm3, $0xFFFF3800, v0;
	v11 =	vsel vm0, $0xFFFF3800, v0;
	v2 =	vld.idx.msk [tilespmem:v2+s3+$0x0], $0xffff  }
0xb9: {  	v9 =	vadd.s32 v13, v9;
	v1 =	vld.idx.msk [tilespmem:v1+s3+$0x0], $0xffff;
	v10 =	vadd.s32 v22, v10;
	v12 =	vand.u32 $0xFFFF0000, v8  }
0xba: {  	v8 =	vshll.u32 v8, $0x10;
	v13 =	vand.u32 $0xFFFF0000, v6;
	v6 =	vshll.u32 v6, $0x10;
	v3 =	vld.idx.msk [tilespmem:v3+s3+$0x0], $0xffff  }
0xbb: {  	v8 =	vsel vm9, v12, v8;
	v12 =	vand.u32 $0xFFFF0000, v7;
	v7 =	vshll.u32 v7, $0x10  }
0xbc: {  	v11 =	vadd.s32 v15, v11;
	v6 =	vsel vm10, v13, v6;
	v7 =	vsel vm1, v12, v7  }
0xbd: {  	v4 =	vld.idx.msk [tilespmem:v4+s3+$0x0], $0xffff;
	[tilespmem:s23+$0x12830] =	vst v7;
	v15 =	vand.u32 $0xFFFF0000, v5;
	v5 =	vshll.u32 v5, $0x10;
	v7 =	vand.u32 $0xFFFF0000, v2  }
0xbe: {  	[tilespmem:s23+$0x12840] =	vst v8;
	v2 =	vshll.u32 v2, $0x10;
	v5 =	vsel vm6, v15, v5;
	v8 =	vand.u32 $0xFFFF0000, v1  }
0xbf: {  	v1 =	vshll.u32 v1, $0x10;
	v2 =	vsel vm4, v7, v2;
	[tilespmem:s23+$0x12850] =	vst v5;
	v5 =	vand.u32 $0xFFFF0000, v3  }
0xc0: {  	[tilespmem:s23+$0x12800] =	vst v6;
	v3 =	vshll.u32 v3, $0x10;
	v1 =	vsel vm5, v8, v1;
	vm5 =	vgt.s32 v16, $0xC7FF  }
0xc1: {  	vm4 =	vgt.s32 v18, $0xC7FF;
	v3 =	vsel vm8, v5, v3;
	[tilespmem:s23+$0x12860] =	vst v1;
	v1 =	vsel vm5, $0xFFFF3800, v0  }
0xc2: {  	[tilespmem:s23+$0x12870] =	vst v2;
	v5 =	vand.u32 $0xFFFF0000, v4;
	v4 =	vshll.u32 v4, $0x10;
	v1 =	vadd.s32 v16, v1  }
0xc3: {  	vm6 =	vgt.s32 v19, $0xC7FF;
	v4 =	vsel vm7, v5, v4;
	[tilespmem:s23+$0x12810] =	vst v3;
	v3 =	vsel vm4, $0xFFFF3800, v0  }
0xc4: {  	v2 =	vsel vm6, $0xFFFF3800, v0;
	vm7 =	vgt.s32 v17, $0xC7FF;
	[tilespmem:s23+$0x12820] =	vst v4;
	v3 =	vadd.s32 v18, v3  }
0xc5: {  	vm1 =	vgt.s32 v14, $0xC7FF;
	v2 =	vadd.s32 v19, v2;
	v6 =	vsel vm7, $0xFFFF3800, v0;
	v5 =	vld.idx.msk [tilespmem:v10+s3+$0x0], $0xffff  }
0xc6: {  	v4 =	vsel vm1, $0xFFFF3800, v0;
	v6 =	vadd.s32 v17, v6;
	v8 =	vld.idx.msk [tilespmem:v11+s3+$0x0], $0xffff  }
0xc7: {  	v4 =	vadd.s32 v14, v4;
	v1 =	vld.idx.msk [tilespmem:v1+s3+$0x0], $0xffff  }
0xc8: {  	vm2 =	vmmov vm2;
	v7 =	vld.idx.msk [tilespmem:v9+s3+$0x0], $0xffff  }
0xc9: {  	vm0 =	vmmov vm0;
	vm6 =	vmmov vm6;
	vm8 =	vmmov vm3;
	v3 =	vld.idx.msk [tilespmem:v3+s3+$0x0], $0xffff  }
0xca: {  	vm3 =	vmmov vm7;
	v2 =	vld.idx.msk [tilespmem:v2+s3+$0x0], $0xffff;
	v9 =	vand.u32 $0xFFFF0000, v5;
	v5 =	vshll.u32 v5, $0x10  }
0xcb: {  	v6 =	vld.idx.msk [tilespmem:v6+s3+$0x0], $0xffff;
	v5 =	vsel vm8, v9, v5;
	v9 =	vand.u32 $0xFFFF0000, v8;
	v8 =	vshll.u32 v8, $0x10  }
0xcc: {  	v4 =	vld.idx.msk [tilespmem:v4+s3+$0x0], $0xffff;
	[tilespmem:s24+$0x12840] =	vst v5;
	v5 =	vsel vm0, v9, v8;
	v8 =	vand.u32 $0xFFFF0000, v1;
	v1 =	vshll.u32 v1, $0x10  }
0xcd: {  	v9 =	vand.u32 $0xFFFF0000, v7;
	v7 =	vshll.u32 v7, $0x10;
	[tilespmem:s24+$0x12830] =	vst v5;
	v1 =	vsel vm5, v8, v1  }
0xce: {  	v5 =	vand.u32 $0xFFFF0000, v3;
	v3 =	vshll.u32 v3, $0x10;
	[tilespmem:s24+$0x12850] =	vst v1;
	v1 =	vsel vm2, v9, v7  }
0xcf: {  	v7 =	vand.u32 $0xFFFF0000, v2;
	v2 =	vshll.u32 v2, $0x10;
	[tilespmem:s24+$0x12800] =	vst v1;
	v1 =	vsel vm4, v5, v3  }
0xd0: {  	v2 =	vsel vm6, v7, v2;
	v3 =	vand.u32 $0xFFFF0000, v6;
	v5 =	vshll.u32 v6, $0x10;
	[tilespmem:s24+$0x12860] =	vst v1  }
0xd1: {  	v1 =	vand.u32 $0xFFFF0000, v4;
	v4 =	vshll.u32 v4, $0x10;
	v3 =	vsel vm3, v3, v5;
	[tilespmem:s24+$0x12810] =	vst v2  }
0xd2: {  	v1 =	vsel vm1, v1, v4;
	[tilespmem:s24+$0x12820] =	vst v3  }
0xd3: {  	s31 =	simm.s32 $0x0;
	[tilespmem:s24+$0x12870] =	vst v1  }
0xd4: {  	[hbm4b:s9+s31] =	stream.linear.scatter [tilespmem:s19], [sflag:$0x5], $0x2000, $0x38;
	[tilespmem:$0x14800] =	vst v63  }
0xd5: {  	_ = 	snop  }
0xd6: {  	[tilespmem:s15], [sflag:$0x3] =	stream.linear.gather [hbm4b:s10+s31], $0x2000, $0x38;
	[tilespmem:$0x14800] =	vst v63  }
0xd7: {  	_ =	swait.ge [sflag:s16], $0x2000  }
0xd8: {  	[sflag:s16] =	ssyncset.done $0x0  }
0xd9: {  	[sflag:s16] =	ssyncadd.s32 $0xFFFFE000  }
0xda: {  	_ =	swait.ge [sflag:s20], $0x2000  }
0xdb: {  	[sflag:s20] =	ssyncset.done $0x0  }
0xdc: {  	s25 =	simm.s32 $0x0;
	[sflag:s20] =	ssyncadd.s32 $0xFFFFE000  }
0xdd: {  	v6 =	vld [tilespmem:s25+$0xC810]  }
0xde: {  	v5 =	vld [tilespmem:s25+$0xC820]  }
0xdf: {  	v2 =	vld [tilespmem:s25+$0xC800]  }
0xe0: {  	v7 =	vld [tilespmem:s25+$0xC840]  }
0xe1: {  	v8 =	vld [tilespmem:s25+$0xC830]  }
0xe2: {  	v10 =	vld [tilespmem:s25+$0xC850]  }
0xe3: {  	v4 =	vld [tilespmem:s25+$0xC860]  }
0xe4: {  	s23 =	simm.s32 $0x80;
	v9 =	vld [tilespmem:s25+$0xC870]  }
0xe5: {  	v1 =	vld [tilespmem:s23+$0xC860];
	vm0 =	vgt.s32 v5, $0xC7FF  }
0xe6: {  	v3 =	vld [tilespmem:s23+$0xC810];
	vm2 =	vgt.s32 v7, $0xC7FF;
	vm1 =	vgt.s32 v2, $0xC7FF;
	vm9 =	vgt.s32 v8, $0xC7FF  }
0xe7: {  	v17 =	vld [tilespmem:s23+$0xC840];
	vm7 =	vgt.s32 v10, $0xC7FF;
	vm4 =	vgt.s32 v6, $0xC7FF;
	v13 =	vsel vm2, $0xFFFF3800, v0  }
0xe8: {  	v15 =	vld [tilespmem:s23+$0xC820];
	vm3 =	vgt.s32 v4, $0xC7FF;
	v12 =	vsel vm1, $0xFFFF3800, v0;
	v7 =	vadd.s32 v7, v13  }
0xe9: {  	v18 =	vld [tilespmem:s23+$0xC830];
	v11 =	vsel vm0, $0xFFFF3800, v0;
	v12 =	vadd.s32 v2, v12;
	v13 =	vsel vm9, $0xFFFF3800, v0  }
0xea: {  	v2 =	vld [tilespmem:s23+$0xC870];
	v16 =	vadd.s32 v5, v11;
	v5 =	vsel vm7, $0xFFFF3800, v0;
	v8 =	vadd.s32 v8, v13  }
0xeb: {  	vm6 =	vgt.s32 v9, $0xC7FF;
	v11 =	vld [tilespmem:s23+$0xC800];
	v10 =	vadd.s32 v10, v5;
	v13 =	vsel vm3, $0xFFFF3800, v0  }
0xec: {  	vm8 =	vgt.s32 v17, $0xC7FF;
	v5 =	vld [tilespmem:s23+$0xC850];
	v4 =	vadd.s32 v4, v13;
	v13 =	vsel vm6, $0xFFFF3800, v0  }
0xed: {  	v14 =	vsel vm4, $0xFFFF3800, v0;
	vm12 =	vmmov vm2;
	v9 =	vadd.s32 v9, v13;
	v61 =	vld.idx.msk [tilespmem:v7+s3+$0x0], $0xffff  }
0xee: {  	vm5 =	vmmov vm4;
	vm4 =	vmmov vm0;
	vm2 =	vgt.s32 v15, $0xC7FF;
	v12 =	vld.idx.msk [tilespmem:v12+s3+$0x0], $0xffff  }
0xef: {  	vm10 =	vmmov vm1;
	vm1 =	vgt.s32 v18, $0xC7FF;
	v19 =	vadd.s32 v6, v14;
	v14 =	vld.idx.msk [tilespmem:v8+s3+$0x0], $0xffff  }
0xf0: {  	vm11 =	vmmov vm9;
	v62 =	vsel vm2, $0xFFFF3800, v0;
	vm0 =	vgt.s32 v11, $0xC7FF;
	v13 =	vld.idx.msk [tilespmem:v10+s3+$0x0], $0xffff  }
0xf1: {  	v63 =	vsel vm1, $0xFFFF3800, v0;
	v7 =	vsel vm8, $0xFFFF3800, v0;
	v6 =	vsel vm0, $0xFFFF3800, v0;
	v10 =	vld.idx.msk [tilespmem:v4+s3+$0x0], $0xffff  }
0xf2: {  	v8 =	vadd.s32 v17, v7;
	v7 =	vadd.s32 v18, v63;
	v6 =	vadd.s32 v11, v6;
	v11 =	vld.idx.msk [tilespmem:v9+s3+$0x0], $0xffff  }
0xf3: {  	v4 =	vadd.s32 v15, v62;
	v9 =	vld.idx.msk [tilespmem:v16+s3+$0x0], $0xffff;
	v17 =	vand.u32 $0xFFFF0000, v61;
	v18 =	vshll.u32 v61, $0x10  }
0xf4: {  	s26 =	simm.s32 $0x600;
	s24 =	simm.s32 $0x100;
	v15 =	vand.u32 $0xFFFF0000, v12;
	v16 =	vshll.u32 v12, $0x10;
	v12 =	vld.idx.msk [tilespmem:v19+s3+$0x0], $0xffff;
	v17 =	vsel vm12, v17, v18  }
.LBB2_7:
0xf5: {  	p0 =	sne.s32 s26, $0x7E00;
	v18 =	vld [tilespmem:s24+$0xC860];
	v19 =	vand.u32 $0xFFFF0000, v14;
	v14 =	vshll.u32 v14, $0x10;
	[tilespmem:s25+$0x10840] =	vst v17;
	vm9 =	vmmov vm8;
	s28 =	smov.u32 s26;
	s26 =	sadd.s32 $0x200, s26  }
0xf6: {  	v17 =	vld [tilespmem:s24+$0xC810];
	v14 =	vsel vm11, v19, v14;
	v19 =	vand.u32 $0xFFFF0000, v13;
	v13 =	vshll.u32 v13, $0x10  }
0xf7: {  	vm8 =	vgt.s32 v3, $0xC7FF;
	v20 =	vld [tilespmem:s24+$0xC820];
	v13 =	vsel vm7, v19, v13;
	v19 =	vand.u32 $0xFFFF0000, v10;
	[tilespmem:s25+$0x10830] =	vst v14  }
0xf8: {  	v21 =	vsel vm8, $0xFFFF3800, v0;
	v22 =	vand.u32 $0xFFFF0000, v11;
	v11 =	vshll.u32 v11, $0x10;
	v14 =	vld [tilespmem:s24+$0xC870];
	[tilespmem:s25+$0x10850] =	vst v13  }
0xf9: {  	v23 =	vsel vm10, v15, v16;
	v21 =	vadd.s32 v3, v21;
	v11 =	vsel vm6, v22, v11;
	v13 =	vld [tilespmem:s24+$0xC800]  }
0xfa: {  	v10 =	vshll.u32 v10, $0x10;
	v16 =	vand.u32 $0xFFFF0000, v12;
	v12 =	vshll.u32 v12, $0x10;
	v15 =	vld [tilespmem:s24+$0xC850];
	[tilespmem:s25+$0x10800] =	vst v23  }
0xfb: {  	v10 =	vsel vm3, v19, v10;
	v12 =	vsel vm5, v16, v12;
	v16 =	vand.u32 $0xFFFF0000, v9;
	v22 =	vld [tilespmem:s24+$0xC840];
	v3 =	vmovc v17  }
0xfc: {  	vm7 =	vgt.s32 v5, $0xC7FF;
	v9 =	vshll.u32 v9, $0x10;
	vm5 =	vmmov vm8;
	v17 =	vld [tilespmem:s24+$0xC830];
	[tilespmem:s25+$0x10860] =	vst v10  }
0xfd: {  	vm3 =	vgt.s32 v1, $0xC7FF;
	v9 =	vsel vm4, v16, v9;
	v10 =	vsel vm7, $0xFFFF3800, v0;
	[tilespmem:s25+$0x10810] =	vst v12  }
0xfe: {  	vm6 =	vgt.s32 v2, $0xC7FF;
	v16 =	vsel vm3, $0xFFFF3800, v0;
	v10 =	vadd.s32 v5, v10;
	[tilespmem:s25+$0x10820] =	vst v9  }
0xff: {  	vm4 =	vmmov vm2;
	v12 =	vsel vm6, $0xFFFF3800, v0;
	v9 =	vadd.s32 v1, v16;
	v1 =	vmovc v18;
	[tilespmem:s25+$0x10870] =	vst v11;
	v5 =	vmovc v15;
	s25 =	smov.u32 s23;
	s23 =	smov.u32 s24  }
0x100: {  	vm2 =	vgt.s32 v20, $0xC7FF;
	v11 =	vadd.s32 v2, v12;
	v2 =	vmovc v14;
	vm8 =	vgt.s32 v22, $0xC7FF;
	v15 =	vld.idx.msk [tilespmem:v8+s3+$0x0], $0xffff  }
0x101: {  	vm10 =	vmmov vm0;
	vm0 =	vgt.s32 v13, $0xC7FF;
	v12 =	vsel vm2, $0xFFFF3800, v0;
	v16 =	vld.idx.msk [tilespmem:v6+s3+$0x0], $0xffff  }
0x102: {  	vm11 =	vmmov vm1;
	v6 =	vsel vm0, $0xFFFF3800, v0;
	v8 =	vsel vm8, $0xFFFF3800, v0;
	v14 =	vld.idx.msk [tilespmem:v7+s3+$0x0], $0xffff  }
.Ltmp3:
0x103: {  	vm1 =	vgt.s32 v17, $0xC7FF;
	v6 =	vadd.s32 v13, v6;
	v8 =	vadd.s32 v22, v8;
	v13 =	vld.idx.msk [tilespmem:v10+s3+$0x0], $0xffff;
	(pc) =	sbr.rel @p0 .LBB2_7-.Ltmp3, $4  }
0x104: {  	v7 =	vsel vm1, $0xFFFF3800, v0;
	v10 =	vld.idx.msk [tilespmem:v9+s3+$0x0], $0xffff  }
0x105: {  	v7 =	vadd.s32 v17, v7;
	v11 =	vld.idx.msk [tilespmem:v11+s3+$0x0], $0xffff  }
0x106: {  	s24 =	sshra.s32 s28, $0x2;
	v17 =	vand.u32 $0xFFFF0000, v15;
	v18 =	vshll.u32 v15, $0x10;
	v9 =	vld.idx.msk [tilespmem:v4+s3+$0x0], $0xffff;
	v4 =	vadd.s32 v20, v12  }
0x107: {  	v15 =	vand.u32 $0xFFFF0000, v16;
	v16 =	vshll.u32 v16, $0x10;
	v17 =	vsel vm9, v17, v18;
	v12 =	vld.idx.msk [tilespmem:v21+s3+$0x0], $0xffff  }
0x108: {  	v18 =	vld [tilespmem:s24+$0xC860];
	[tilespmem:s25+$0x10840] =	vst v17;
	v17 =	vand.u32 $0xFFFF0000, v14;
	v14 =	vshll.u32 v14, $0x10  }
0x109: {  	v20 =	vand.u32 $0xFFFF0000, v13;
	v13 =	vshll.u32 v13, $0x10;
	v19 =	vld [tilespmem:s24+$0xC810];
	v14 =	vsel vm11, v17, v14  }
0x10a: {  	v17 =	vld [tilespmem:s24+$0xC820];
	v13 =	vsel vm7, v20, v13;
	[tilespmem:s25+$0x10830] =	vst v14  }
0x10b: {  	v15 =	vsel vm10, v15, v16;
	v59 =	vand.u32 $0xFFFF0000, v10;
	v14 =	vld [tilespmem:s24+$0xC870];
	[tilespmem:s25+$0x10850] =	vst v13  }
0x10c: {  	v10 =	vshll.u32 v10, $0x10;
	v21 =	vand.u32 $0xFFFF0000, v11;
	v11 =	vshll.u32 v11, $0x10;
	v13 =	vld [tilespmem:s24+$0xC800]  }
0x10d: {  	v10 =	vsel vm3, v59, v10;
	v11 =	vsel vm6, v21, v11;
	v60 =	vand.u32 $0xFFFF0000, v9;
	v16 =	vld [tilespmem:s24+$0xC850];
	[tilespmem:s25+$0x10800] =	vst v15  }
0x10e: {  	v9 =	vshll.u32 v9, $0x10;
	v15 =	vand.u32 $0xFFFF0000, v12;
	v12 =	vshll.u32 v12, $0x10;
	v22 =	vld [tilespmem:s24+$0xC840]  }
0x10f: {  	vm6 =	vgt.s32 v5, $0xC7FF;
	v9 =	vsel vm4, v60, v9;
	v12 =	vsel vm5, v15, v12;
	v15 =	vld [tilespmem:s24+$0xC830];
	[tilespmem:s25+$0x10860] =	vst v10  }
0x110: {  	vm4 =	vgt.s32 v2, $0xC7FF;
	v10 =	vsel vm6, $0xFFFF3800, v0;
	[tilespmem:s25+$0x10820] =	vst v9  }
0x111: {  	vm5 =	vgt.s32 v1, $0xC7FF;
	v9 =	vsel vm4, $0xFFFF3800, v0;
	[tilespmem:s25+$0x10870] =	vst v11;
	v5 =	vadd.s32 v5, v10  }
0x112: {  	vm3 =	vgt.s32 v3, $0xC7FF;
	[tilespmem:s25+$0x10810] =	vst v12;
	v10 =	vsel vm5, $0xFFFF3800, v0;
	v2 =	vadd.s32 v2, v9  }
0x113: {  	v1 =	vadd.s32 v1, v10;
	v10 =	vsel vm3, $0xFFFF3800, v0;
	v8 =	vld.idx.msk [tilespmem:v8+s3+$0x0], $0xffff  }
0x114: {  	vm9 =	vmmov vm8;
	vm10 =	vmmov vm0;
	v6 =	vld.idx.msk [tilespmem:v6+s3+$0x0], $0xffff;
	v3 =	vadd.s32 v3, v10  }
0x115: {  	vm1 =	vmmov vm1;
	vm7 =	vmmov vm2;
	vm8 =	vmmov vm3;
	v7 =	vld.idx.msk [tilespmem:v7+s3+$0x0], $0xffff  }
0x116: {  	vm2 =	vgt.s32 v13, $0xC7FF;
	vm3 =	vgt.s32 v22, $0xC7FF;
	vm0 =	vgt.s32 v15, $0xC7FF;
	v5 =	vld.idx.msk [tilespmem:v5+s3+$0x0], $0xffff  }
0x117: {  	v9 =	vsel vm2, $0xFFFF3800, v0;
	v10 =	vsel vm3, $0xFFFF3800, v0;
	v11 =	vsel vm0, $0xFFFF3800, v0;
	v2 =	vld.idx.msk [tilespmem:v2+s3+$0x0], $0xffff  }
0x118: {  	v9 =	vadd.s32 v13, v9;
	v1 =	vld.idx.msk [tilespmem:v1+s3+$0x0], $0xffff;
	v10 =	vadd.s32 v22, v10;
	v12 =	vand.u32 $0xFFFF0000, v8  }
0x119: {  	v8 =	vshll.u32 v8, $0x10;
	v13 =	vand.u32 $0xFFFF0000, v6;
	v6 =	vshll.u32 v6, $0x10;
	v3 =	vld.idx.msk [tilespmem:v3+s3+$0x0], $0xffff  }
0x11a: {  	v8 =	vsel vm9, v12, v8;
	v12 =	vand.u32 $0xFFFF0000, v7;
	v7 =	vshll.u32 v7, $0x10  }
0x11b: {  	v11 =	vadd.s32 v15, v11;
	v6 =	vsel vm10, v13, v6;
	v7 =	vsel vm1, v12, v7  }
0x11c: {  	v4 =	vld.idx.msk [tilespmem:v4+s3+$0x0], $0xffff;
	[tilespmem:s23+$0x10830] =	vst v7;
	v15 =	vand.u32 $0xFFFF0000, v5;
	v5 =	vshll.u32 v5, $0x10;
	v7 =	vand.u32 $0xFFFF0000, v2  }
0x11d: {  	[tilespmem:s23+$0x10840] =	vst v8;
	v2 =	vshll.u32 v2, $0x10;
	v5 =	vsel vm6, v15, v5;
	v8 =	vand.u32 $0xFFFF0000, v1  }
0x11e: {  	v1 =	vshll.u32 v1, $0x10;
	v2 =	vsel vm4, v7, v2;
	[tilespmem:s23+$0x10850] =	vst v5;
	v5 =	vand.u32 $0xFFFF0000, v3  }
0x11f: {  	[tilespmem:s23+$0x10800] =	vst v6;
	v3 =	vshll.u32 v3, $0x10;
	v1 =	vsel vm5, v8, v1;
	vm5 =	vgt.s32 v16, $0xC7FF  }
0x120: {  	vm4 =	vgt.s32 v18, $0xC7FF;
	v3 =	vsel vm8, v5, v3;
	[tilespmem:s23+$0x10860] =	vst v1;
	v1 =	vsel vm5, $0xFFFF3800, v0  }
0x121: {  	[tilespmem:s23+$0x10870] =	vst v2;
	v5 =	vand.u32 $0xFFFF0000, v4;
	v4 =	vshll.u32 v4, $0x10;
	v1 =	vadd.s32 v16, v1  }
0x122: {  	vm6 =	vgt.s32 v19, $0xC7FF;
	v4 =	vsel vm7, v5, v4;
	[tilespmem:s23+$0x10810] =	vst v3;
	v3 =	vsel vm4, $0xFFFF3800, v0  }
0x123: {  	v2 =	vsel vm6, $0xFFFF3800, v0;
	vm7 =	vgt.s32 v17, $0xC7FF;
	[tilespmem:s23+$0x10820] =	vst v4;
	v3 =	vadd.s32 v18, v3  }
0x124: {  	vm1 =	vgt.s32 v14, $0xC7FF;
	v2 =	vadd.s32 v19, v2;
	v6 =	vsel vm7, $0xFFFF3800, v0;
	v5 =	vld.idx.msk [tilespmem:v10+s3+$0x0], $0xffff  }
0x125: {  	v4 =	vsel vm1, $0xFFFF3800, v0;
	v6 =	vadd.s32 v17, v6;
	v8 =	vld.idx.msk [tilespmem:v11+s3+$0x0], $0xffff  }
0x126: {  	v4 =	vadd.s32 v14, v4;
	v1 =	vld.idx.msk [tilespmem:v1+s3+$0x0], $0xffff  }
0x127: {  	vm2 =	vmmov vm2;
	v7 =	vld.idx.msk [tilespmem:v9+s3+$0x0], $0xffff  }
0x128: {  	vm0 =	vmmov vm0;
	vm6 =	vmmov vm6;
	vm8 =	vmmov vm3;
	v3 =	vld.idx.msk [tilespmem:v3+s3+$0x0], $0xffff  }
0x129: {  	vm3 =	vmmov vm7;
	v2 =	vld.idx.msk [tilespmem:v2+s3+$0x0], $0xffff;
	v9 =	vand.u32 $0xFFFF0000, v5;
	v5 =	vshll.u32 v5, $0x10  }
0x12a: {  	v6 =	vld.idx.msk [tilespmem:v6+s3+$0x0], $0xffff;
	v5 =	vsel vm8, v9, v5;
	v9 =	vand.u32 $0xFFFF0000, v8;
	v8 =	vshll.u32 v8, $0x10  }
0x12b: {  	v4 =	vld.idx.msk [tilespmem:v4+s3+$0x0], $0xffff;
	[tilespmem:s24+$0x10840] =	vst v5;
	v5 =	vsel vm0, v9, v8;
	v8 =	vand.u32 $0xFFFF0000, v1;
	v1 =	vshll.u32 v1, $0x10  }
0x12c: {  	v9 =	vand.u32 $0xFFFF0000, v7;
	v7 =	vshll.u32 v7, $0x10;
	[tilespmem:s24+$0x10830] =	vst v5;
	v1 =	vsel vm5, v8, v1  }
0x12d: {  	v5 =	vand.u32 $0xFFFF0000, v3;
	v3 =	vshll.u32 v3, $0x10;
	[tilespmem:s24+$0x10850] =	vst v1;
	v1 =	vsel vm2, v9, v7  }
0x12e: {  	v7 =	vand.u32 $0xFFFF0000, v2;
	v2 =	vshll.u32 v2, $0x10;
	[tilespmem:s24+$0x10800] =	vst v1;
	v1 =	vsel vm4, v5, v3  }
0x12f: {  	v2 =	vsel vm6, v7, v2;
	v3 =	vand.u32 $0xFFFF0000, v6;
	v5 =	vshll.u32 v6, $0x10;
	[tilespmem:s24+$0x10860] =	vst v1  }
0x130: {  	v1 =	vand.u32 $0xFFFF0000, v4;
	v4 =	vshll.u32 v4, $0x10;
	v3 =	vsel vm3, v3, v5;
	[tilespmem:s24+$0x10810] =	vst v2  }
0x131: {  	v1 =	vsel vm1, v1, v4;
	[tilespmem:s24+$0x10820] =	vst v3  }
0x132: {  	s31 =	simm.s32 $0x0;
	[tilespmem:s24+$0x10870] =	vst v1  }
0x133: {  	[hbm4b:s11+s31] =	stream.linear.scatter [tilespmem:s17], [sflag:$0x4], $0x2000, $0x38;
	[tilespmem:$0x14800] =	vst v63  }
0x134: {  	_ =	swait.ge [sflag:s18], $0x2000  }
0x135: {  	[sflag:s18] =	ssyncset.done $0x0  }
0x136: {  	[sflag:s18] =	ssyncadd.s32 $0xFFFFE000  }
0x137: {  	_ =	swait.ge [sflag:s21], $0x2000  }
0x138: {  	[sflag:s21] =	ssyncset.done $0x0  }
0x139: {  	s25 =	simm.s32 $0x0;
	[sflag:s21] =	ssyncadd.s32 $0xFFFFE000  }
0x13a: {  	v6 =	vld [tilespmem:s25+$0xE810]  }
0x13b: {  	v5 =	vld [tilespmem:s25+$0xE820]  }
0x13c: {  	v2 =	vld [tilespmem:s25+$0xE800]  }
0x13d: {  	v7 =	vld [tilespmem:s25+$0xE840]  }
0x13e: {  	v8 =	vld [tilespmem:s25+$0xE830]  }
0x13f: {  	v10 =	vld [tilespmem:s25+$0xE850]  }
0x140: {  	v4 =	vld [tilespmem:s25+$0xE860]  }
0x141: {  	s23 =	simm.s32 $0x80;
	v9 =	vld [tilespmem:s25+$0xE870]  }
0x142: {  	v1 =	vld [tilespmem:s23+$0xE860];
	vm0 =	vgt.s32 v5, $0xC7FF  }
0x143: {  	v3 =	vld [tilespmem:s23+$0xE810];
	vm2 =	vgt.s32 v7, $0xC7FF;
	vm1 =	vgt.s32 v2, $0xC7FF;
	vm9 =	vgt.s32 v8, $0xC7FF  }
0x144: {  	v17 =	vld [tilespmem:s23+$0xE840];
	vm7 =	vgt.s32 v10, $0xC7FF;
	vm4 =	vgt.s32 v6, $0xC7FF;
	v13 =	vsel vm2, $0xFFFF3800, v0  }
0x145: {  	v15 =	vld [tilespmem:s23+$0xE820];
	vm3 =	vgt.s32 v4, $0xC7FF;
	v12 =	vsel vm1, $0xFFFF3800, v0;
	v7 =	vadd.s32 v7, v13  }
0x146: {  	v18 =	vld [tilespmem:s23+$0xE830];
	v11 =	vsel vm0, $0xFFFF3800, v0;
	v12 =	vadd.s32 v2, v12;
	v13 =	vsel vm9, $0xFFFF3800, v0  }
0x147: {  	v2 =	vld [tilespmem:s23+$0xE870];
	v16 =	vadd.s32 v5, v11;
	v5 =	vsel vm7, $0xFFFF3800, v0;
	v8 =	vadd.s32 v8, v13  }
0x148: {  	vm6 =	vgt.s32 v9, $0xC7FF;
	v11 =	vld [tilespmem:s23+$0xE800];
	v10 =	vadd.s32 v10, v5;
	v13 =	vsel vm3, $0xFFFF3800, v0  }
0x149: {  	vm8 =	vgt.s32 v17, $0xC7FF;
	v5 =	vld [tilespmem:s23+$0xE850];
	v4 =	vadd.s32 v4, v13;
	v13 =	vsel vm6, $0xFFFF3800, v0  }
0x14a: {  	v14 =	vsel vm4, $0xFFFF3800, v0;
	vm12 =	vmmov vm2;
	v9 =	vadd.s32 v9, v13;
	v61 =	vld.idx.msk [tilespmem:v7+s3+$0x0], $0xffff  }
0x14b: {  	vm5 =	vmmov vm4;
	vm4 =	vmmov vm0;
	vm2 =	vgt.s32 v15, $0xC7FF;
	v12 =	vld.idx.msk [tilespmem:v12+s3+$0x0], $0xffff  }
0x14c: {  	vm10 =	vmmov vm1;
	vm1 =	vgt.s32 v18, $0xC7FF;
	v19 =	vadd.s32 v6, v14;
	v14 =	vld.idx.msk [tilespmem:v8+s3+$0x0], $0xffff  }
0x14d: {  	vm11 =	vmmov vm9;
	v62 =	vsel vm2, $0xFFFF3800, v0;
	vm0 =	vgt.s32 v11, $0xC7FF;
	v13 =	vld.idx.msk [tilespmem:v10+s3+$0x0], $0xffff  }
0x14e: {  	v63 =	vsel vm1, $0xFFFF3800, v0;
	v7 =	vsel vm8, $0xFFFF3800, v0;
	v6 =	vsel vm0, $0xFFFF3800, v0;
	v10 =	vld.idx.msk [tilespmem:v4+s3+$0x0], $0xffff  }
0x14f: {  	v8 =	vadd.s32 v17, v7;
	v7 =	vadd.s32 v18, v63;
	v6 =	vadd.s32 v11, v6;
	v11 =	vld.idx.msk [tilespmem:v9+s3+$0x0], $0xffff  }
0x150: {  	v4 =	vadd.s32 v15, v62;
	v9 =	vld.idx.msk [tilespmem:v16+s3+$0x0], $0xffff;
	v17 =	vand.u32 $0xFFFF0000, v61;
	v18 =	vshll.u32 v61, $0x10  }
0x151: {  	s26 =	simm.s32 $0x600;
	s24 =	simm.s32 $0x100;
	v15 =	vand.u32 $0xFFFF0000, v12;
	v16 =	vshll.u32 v12, $0x10;
	v12 =	vld.idx.msk [tilespmem:v19+s3+$0x0], $0xffff;
	v17 =	vsel vm12, v17, v18  }
.LBB2_9:
0x152: {  	p0 =	sne.s32 s26, $0x7E00;
	v18 =	vld [tilespmem:s24+$0xE860];
	v19 =	vand.u32 $0xFFFF0000, v14;
	v14 =	vshll.u32 v14, $0x10;
	[tilespmem:s25+$0x12840] =	vst v17;
	vm9 =	vmmov vm8;
	s28 =	smov.u32 s26;
	s26 =	sadd.s32 $0x200, s26  }
0x153: {  	v17 =	vld [tilespmem:s24+$0xE810];
	v14 =	vsel vm11, v19, v14;
	v19 =	vand.u32 $0xFFFF0000, v13;
	v13 =	vshll.u32 v13, $0x10  }
0x154: {  	vm8 =	vgt.s32 v3, $0xC7FF;
	v20 =	vld [tilespmem:s24+$0xE820];
	v13 =	vsel vm7, v19, v13;
	v19 =	vand.u32 $0xFFFF0000, v10;
	[tilespmem:s25+$0x12830] =	vst v14  }
0x155: {  	v21 =	vsel vm8, $0xFFFF3800, v0;
	v22 =	vand.u32 $0xFFFF0000, v11;
	v11 =	vshll.u32 v11, $0x10;
	v14 =	vld [tilespmem:s24+$0xE870];
	[tilespmem:s25+$0x12850] =	vst v13  }
0x156: {  	v23 =	vsel vm10, v15, v16;
	v21 =	vadd.s32 v3, v21;
	v11 =	vsel vm6, v22, v11;
	v13 =	vld [tilespmem:s24+$0xE800]  }
0x157: {  	v10 =	vshll.u32 v10, $0x10;
	v16 =	vand.u32 $0xFFFF0000, v12;
	v12 =	vshll.u32 v12, $0x10;
	v15 =	vld [tilespmem:s24+$0xE850];
	[tilespmem:s25+$0x12800] =	vst v23  }
0x158: {  	v10 =	vsel vm3, v19, v10;
	v12 =	vsel vm5, v16, v12;
	v16 =	vand.u32 $0xFFFF0000, v9;
	v22 =	vld [tilespmem:s24+$0xE840];
	v3 =	vmovc v17  }
0x159: {  	vm7 =	vgt.s32 v5, $0xC7FF;
	v9 =	vshll.u32 v9, $0x10;
	vm5 =	vmmov vm8;
	v17 =	vld [tilespmem:s24+$0xE830];
	[tilespmem:s25+$0x12860] =	vst v10  }
0x15a: {  	vm3 =	vgt.s32 v1, $0xC7FF;
	v9 =	vsel vm4, v16, v9;
	v10 =	vsel vm7, $0xFFFF3800, v0;
	[tilespmem:s25+$0x12810] =	vst v12  }
0x15b: {  	vm6 =	vgt.s32 v2, $0xC7FF;
	v16 =	vsel vm3, $0xFFFF3800, v0;
	v10 =	vadd.s32 v5, v10;
	[tilespmem:s25+$0x12820] =	vst v9  }
0x15c: {  	vm4 =	vmmov vm2;
	v12 =	vsel vm6, $0xFFFF3800, v0;
	v9 =	vadd.s32 v1, v16;
	v1 =	vmovc v18;
	[tilespmem:s25+$0x12870] =	vst v11;
	v5 =	vmovc v15;
	s25 =	smov.u32 s23;
	s23 =	smov.u32 s24  }
0x15d: {  	vm2 =	vgt.s32 v20, $0xC7FF;
	v11 =	vadd.s32 v2, v12;
	v2 =	vmovc v14;
	vm8 =	vgt.s32 v22, $0xC7FF;
	v15 =	vld.idx.msk [tilespmem:v8+s3+$0x0], $0xffff  }
0x15e: {  	vm10 =	vmmov vm0;
	vm0 =	vgt.s32 v13, $0xC7FF;
	v12 =	vsel vm2, $0xFFFF3800, v0;
	v16 =	vld.idx.msk [tilespmem:v6+s3+$0x0], $0xffff  }
0x15f: {  	vm11 =	vmmov vm1;
	v6 =	vsel vm0, $0xFFFF3800, v0;
	v8 =	vsel vm8, $0xFFFF3800, v0;
	v14 =	vld.idx.msk [tilespmem:v7+s3+$0x0], $0xffff  }
.Ltmp4:
0x160: {  	vm1 =	vgt.s32 v17, $0xC7FF;
	v6 =	vadd.s32 v13, v6;
	v8 =	vadd.s32 v22, v8;
	v13 =	vld.idx.msk [tilespmem:v10+s3+$0x0], $0xffff;
	(pc) =	sbr.rel @p0 .LBB2_9-.Ltmp4, $4  }
0x161: {  	v7 =	vsel vm1, $0xFFFF3800, v0;
	v10 =	vld.idx.msk [tilespmem:v9+s3+$0x0], $0xffff  }
0x162: {  	v7 =	vadd.s32 v17, v7;
	v11 =	vld.idx.msk [tilespmem:v11+s3+$0x0], $0xffff  }
0x163: {  	s24 =	sshra.s32 s28, $0x2;
	v17 =	vand.u32 $0xFFFF0000, v15;
	v18 =	vshll.u32 v15, $0x10;
	v9 =	vld.idx.msk [tilespmem:v4+s3+$0x0], $0xffff;
	v4 =	vadd.s32 v20, v12  }
0x164: {  	v15 =	vand.u32 $0xFFFF0000, v16;
	v16 =	vshll.u32 v16, $0x10;
	v17 =	vsel vm9, v17, v18;
	v12 =	vld.idx.msk [tilespmem:v21+s3+$0x0], $0xffff  }
0x165: {  	v18 =	vld [tilespmem:s24+$0xE860];
	[tilespmem:s25+$0x12840] =	vst v17;
	v22 =	vand.u32 $0xFFFF0000, v14;
	v23 =	vshll.u32 v14, $0x10  }
0x166: {  	v20 =	vand.u32 $0xFFFF0000, v13;
	v25 =	vshll.u32 v13, $0x10;
	v19 =	vld [tilespmem:s24+$0xE810];
	v14 =	vsel vm11, v22, v23  }
0x167: {  	v24 =	vld [tilespmem:s24+$0xE820];
	v13 =	vsel vm7, v20, v25;
	[tilespmem:s25+$0x12830] =	vst v14  }
0x168: {  	v14 =	vld [tilespmem:s24+$0xE870];
	[tilespmem:s25+$0x12850] =	vst v13  }
0x169: {  	v15 =	vsel vm10, v15, v16;
	v13 =	vld [tilespmem:s24+$0xE800]  }
0x16a: {  	v27 =	vand.u32 $0xFFFF0000, v10;
	v31 =	vshll.u32 v10, $0x10;
	v26 =	vld [tilespmem:s24+$0xE850];
	[tilespmem:s25+$0x12800] =	vst v15  }
0x16b: {  	v10 =	vsel vm3, v27, v31;
	v33 =	vand.u32 $0xFFFF0000, v9;
	v34 =	vshll.u32 v9, $0x10;
	v22 =	vld [tilespmem:s24+$0xE840]  }
0x16c: {  	v21 =	vand.u32 $0xFFFF0000, v11;
	v28 =	vshll.u32 v11, $0x10;
	v9 =	vsel vm4, v33, v34;
	v32 =	vld [tilespmem:s24+$0xE830];
	[tilespmem:s25+$0x12860] =	vst v10  }
0x16d: {  	v11 =	vsel vm6, v21, v28;
	v29 =	vand.u32 $0xFFFF0000, v12;
	v30 =	vshll.u32 v12, $0x10;
	[tilespmem:s25+$0x12820] =	vst v9  }
0x16e: {  	vm9 =	vmmov vm8;
	vm7 =	vgt.s32 v3, $0xC7FF;
	v12 =	vsel vm5, v29, v30;
	[tilespmem:s25+$0x12870] =	vst v11  }
0x16f: {  	vm13 =	vmmov vm2;
	v39 =	vsel vm7, $0xFFFF3800, v0;
	vm6 =	vgt.s32 v5, $0xC7FF;
	[tilespmem:s25+$0x12810] =	vst v12  }
0x170: {  	v3 =	vadd.s32 v3, v39;
	v35 =	vsel vm6, $0xFFFF3800, v0;
	vm4 =	vgt.s32 v2, $0xC7FF;
	v8 =	vld.idx.msk [tilespmem:v8+s3+$0x0], $0xffff  }
0x171: {  	vm5 =	vgt.s32 v1, $0xC7FF;
	v36 =	vadd.s32 v5, v35;
	v38 =	vsel vm4, $0xFFFF3800, v0;
	v6 =	vld.idx.msk [tilespmem:v6+s3+$0x0], $0xffff  }
0x172: {  	vm15 =	vmmov vm0;
	v37 =	vsel vm5, $0xFFFF3800, v0;
	v2 =	vadd.s32 v2, v38;
	v7 =	vld.idx.msk [tilespmem:v7+s3+$0x0], $0xffff  }
0x173: {  	vm1 =	vmmov vm1;
	vm12 =	vmmov vm7;
	v1 =	vadd.s32 v1, v37;
	v4 =	vld.idx.msk [tilespmem:v4+s3+$0x0], $0xffff  }
0x174: {  	vm2 =	vgt.s32 v13, $0xC7FF;
	vm14 =	vgt.s32 v22, $0xC7FF;
	vm0 =	vgt.s32 v32, $0xC7FF  }
0x175: {  	v3 =	vld.idx.msk [tilespmem:v3+s3+$0x0], $0xffff;
	v40 =	vsel vm2, $0xFFFF3800, v0;
	v41 =	vsel vm14, $0xFFFF3800, v0;
	v42 =	vsel vm0, $0xFFFF3800, v0  }
0x176: {  	v5 =	vld.idx.msk [tilespmem:v36+s3+$0x0], $0xffff;
	v10 =	vadd.s32 v22, v41;
	v11 =	vadd.s32 v32, v42;
	v43 =	vand.u32 $0xFFFF0000, v8  }
0x177: {  	v2 =	vld.idx.msk [tilespmem:v2+s3+$0x0], $0xffff;
	v8 =	vshll.u32 v8, $0x10;
	v44 =	vand.u32 $0xFFFF0000, v6;
	v6 =	vshll.u32 v6, $0x10  }
0x178: {  	v1 =	vld.idx.msk [tilespmem:v1+s3+$0x0], $0xffff;
	v45 =	vand.u32 $0xFFFF0000, v7;
	v7 =	vshll.u32 v7, $0x10;
	v50 =	vand.u32 $0xFFFF0000, v4  }
0x179: {  	v4 =	vshll.u32 v4, $0x10;
	v8 =	vsel vm9, v43, v8;
	v7 =	vsel vm1, v45, v7  }
0x17a: {  	v6 =	vsel vm15, v44, v6;
	v49 =	vand.u32 $0xFFFF0000, v3;
	v3 =	vshll.u32 v3, $0x10;
	[tilespmem:s23+$0x12840] =	vst v8  }
0x17b: {  	v4 =	vsel vm13, v50, v4;
	[tilespmem:s23+$0x12830] =	vst v7;
	v3 =	vsel vm12, v49, v3;
	vm12 =	vgt.s32 v19, $0xC7FF  }
0x17c: {  	[tilespmem:s23+$0x12800] =	vst v6;
	v46 =	vand.u32 $0xFFFF0000, v5;
	v48 =	vand.u32 $0xFFFF0000, v2;
	v2 =	vshll.u32 v2, $0x10  }
0x17d: {  	[tilespmem:s23+$0x12820] =	vst v4;
	v47 =	vand.u32 $0xFFFF0000, v1;
	v1 =	vshll.u32 v1, $0x10;
	v2 =	vsel vm4, v48, v2  }
0x17e: {  	v1 =	vsel vm5, v47, v1;
	vm5 =	vgt.s32 v26, $0xC7FF;
	[tilespmem:s23+$0x12870] =	vst v2;
	v2 =	vsel vm12, $0xFFFF3800, v0  }
0x17f: {  	v5 =	vshll.u32 v5, $0x10;
	[tilespmem:s23+$0x12860] =	vst v1;
	v1 =	vsel vm5, $0xFFFF3800, v0;
	v2 =	vadd.s32 v19, v2  }
0x180: {  	[tilespmem:s23+$0x12810] =	vst v3;
	v5 =	vsel vm6, v46, v5;
	vm4 =	vgt.s32 v18, $0xC7FF;
	v1 =	vadd.s32 v26, v1  }
0x181: {  	v9 =	vadd.s32 v13, v40;
	vm13 =	vgt.s32 v24, $0xC7FF;
	[tilespmem:s23+$0x12850] =	vst v5;
	v3 =	vsel vm4, $0xFFFF3800, v0  }
0x182: {  	vm1 =	vgt.s32 v14, $0xC7FF;
	v53 =	vsel vm13, $0xFFFF3800, v0;
	v3 =	vadd.s32 v18, v3;
	v52 =	vld.idx.msk [tilespmem:v10+s3+$0x0], $0xffff  }
0x183: {  	v51 =	vsel vm1, $0xFFFF3800, v0;
	v6 =	vadd.s32 v24, v53;
	v55 =	vld.idx.msk [tilespmem:v11+s3+$0x0], $0xffff  }
0x184: {  	v4 =	vadd.s32 v14, v51;
	v2 =	vld.idx.msk [tilespmem:v2+s3+$0x0], $0xffff  }
0x185: {  	vm2 =	vmmov vm2;
	v1 =	vld.idx.msk [tilespmem:v1+s3+$0x0], $0xffff  }
0x186: {  	vm14 =	vmmov vm14;
	vm0 =	vmmov vm0;
	vm15 =	vmmov vm13;
	v54 =	vld.idx.msk [tilespmem:v9+s3+$0x0], $0xffff  }
0x187: {  	vm6 =	vmmov vm12;
	v3 =	vld.idx.msk [tilespmem:v3+s3+$0x0], $0xffff;
	v56 =	vand.u32 $0xFFFF0000, v52;
	v5 =	vshll.u32 v52, $0x10  }
0x188: {  	v6 =	vld.idx.msk [tilespmem:v6+s3+$0x0], $0xffff;
	v57 =	vand.u32 $0xFFFF0000, v55;
	v8 =	vshll.u32 v55, $0x10;
	v5 =	vsel vm14, v56, v5  }
0x189: {  	v4 =	vld.idx.msk [tilespmem:v4+s3+$0x0], $0xffff;
	v58 =	vsel vm0, v57, v8;
	[tilespmem:s24+$0x12840] =	vst v5;
	v62 =	vand.u32 $0xFFFF0000, v2;
	v2 =	vshll.u32 v2, $0x10  }
0x18a: {  	[tilespmem:s24+$0x12830] =	vst v58;
	v59 =	vand.u32 $0xFFFF0000, v1;
	v1 =	vshll.u32 v1, $0x10;
	v2 =	vsel vm6, v62, v2  }
0x18b: {  	v60 =	vand.u32 $0xFFFF0000, v54;
	v7 =	vshll.u32 v54, $0x10;
	v1 =	vsel vm5, v59, v1;
	[tilespmem:s24+$0x12810] =	vst v2  }
0x18c: {  	v61 =	vand.u32 $0xFFFF0000, v3;
	v3 =	vshll.u32 v3, $0x10;
	[tilespmem:s24+$0x12850] =	vst v1;
	v1 =	vsel vm2, v60, v7  }
0x18d: {  	v63 =	vshll.u32 v6, $0x10;
	[tilespmem:s24+$0x12800] =	vst v1;
	v1 =	vsel vm4, v61, v3;
	v3 =	vand.u32 $0xFFFF0000, v6  }
0x18e: {  	[tilespmem:s24+$0x12860] =	vst v1;
	v1 =	vand.u32 $0xFFFF0000, v4;
	v4 =	vshll.u32 v4, $0x10;
	v3 =	vsel vm15, v3, v63  }
0x18f: {  	v1 =	vsel vm1, v1, v4;
	[tilespmem:s24+$0x12820] =	vst v3  }
0x190: {  	s22 =	sadd.s32 $0x1, s22;
	[tilespmem:s24+$0x12870] =	vst v1  }
0x191: {  	[hbm4b:s12+s3] =	stream.linear.scatter [tilespmem:s19], [sflag:$0x5], $0x2000, $0x38;
	[tilespmem:$0x14800] =	vst v63  }
0x192: {  	p0 =	sne.s32 s22, s2;
	_ =	swait.ge [sflag:s20], $0x2000  }
.Ltmp5:
0x193: {  	[sflag:s20] =	ssyncset.done $0x0;
	(pc) =	sbr.rel @p0 .LBB2_2-.Ltmp5, $4  }
0x194: {  	[sflag:s20] =	ssyncadd.s32 $0xFFFFE000  }
0x195: {  	_ =	swait.ge [sflag:s21], $0x2000  }
0x196: {  	[sflag:s21] =	ssyncset.done $0x0  }
0x197: {  	[sflag:s21] =	ssyncadd.s32 $0xFFFFE000  }
.LBB2_11:
0x198: {  	_ =	sfence.sel $0x180000  }
0x199: {  	[bflag:$0x0] =	sbarrier.arrive $0xFFFF  }
0x19a: {  	p0 =	sne.s32 s0, $0x0;
	_ =	strace $0x90000047  }
0x19b: {  	s0 =	sadd.s32 @!p0 $0x100000, s1;
	[bflag:$0x2] =	sbarrier.arrive $0xFFFF  }
0x19c: {  	[sflag:s0] =	ssyncadd.tile.s32 @!p0 $0x1;
	_ =	shalt  }
.Lfunc_end2:
_tile_overlayer_lowered:
.L_overlay_start_2:
0x19d: {  	(tag) =	ssettag $0x2  }
0x19e: {  	s0 =	rddreg [dreg:$0x0];
	s2 =	stileid.u32  }
0x19f: {  	s1 =	rddreg [dreg:$0x1];
	p0 =	sne.s32 s2, $0x0  }
0x1a0: {  	s3 =	rddreg [dreg:$0x2];
	[bflag:$0x3] =	sbarrier.arrive $0xFFFF;
	s2 =	simm.s32 @!p0 $0x1C06  }
0x1a1: {  	[timem:s3], [sflag:s2] =	dma.local @!p0 [hbm:s0], s1  }
0x1a2: {  	s0 =	simm.s32 @!p0 $0x6  }
0x1a3: {  	_ =	swait.ge @!p0 [sflag:s0], s1  }
0x1a4: {  	s1 =	ssub.s32 @!p0 $0x0, s1;
	[sflag:s0] =	ssyncset.done @!p0 $0x0  }
0x1a5: {  	[sflag:s0] =	ssyncadd.s32 @!p0 s1  }
0x1a6: {  	[bflag:$0x3] =	sbarrier.arrive $0xFFFF  }
0x1a7: {  	_ =	shalt  }

</sc_bundles>
